<compile_context>
chip_gen: v7x
topology: tpu7x:2x2x1
jax: 0.10.2.dev20260603
libtpu: 0.0.44.dev20260713+nightly
codegen_flags: <defaults>
</compile_context>

<pallas_src>
import functools

import jax
import jax.numpy as jnp
from jax import lax
from jax.experimental import pallas as pl
from jax.experimental.pallas import tpu as pltpu
from jax.experimental.pallas import tpu_sc as plsc

L = 200
D = 64
NB = 4096
LANES = 16
NC = 2
NS = 16
NW = NC * NS
CHUNK = 256
NCHUNK = NB // CHUNK
NBUF = 3
WPAIR = 2


@functools.cache
def _build():
    mesh = plsc.VectorSubcoreMesh(core_axis_name="c", subcore_axis_name="s")

    @functools.partial(
        pl.kernel,
        mesh=mesh,
        out_type=jax.ShapeDtypeStruct((L, D, NB), jnp.float32),
        scratch_types=[
            pltpu.VMEM((2, NB), jnp.int32),
            pltpu.VMEM((2, D), jnp.float32),
            pltpu.VMEM((NBUF, CHUNK, D), jnp.float32),
            pltpu.VMEM((2, D, WPAIR * CHUNK + 1), jnp.float32),
            pltpu.SemaphoreType.DMA((NBUF,)),
            pltpu.SemaphoreType.DMA((2,)),
            pltpu.SemaphoreType.DMA,
        ],
        compiler_params=pltpu.CompilerParams(
            use_tc_tiling_on_sc=False, needs_layout_passes=False,
        ),
    )
    def run(seq_hbm, tok_hbm, pos_hbm, out_hbm,
            idx2, pos2, rows_all, xout_all, gsem, osem, isem):
        w = lax.axis_index("s") * NC + lax.axis_index("c")
        n_l = (L - 1 - w) // NW + 1
        nj = n_l * NCHUNK

        pltpu.sync_copy(seq_hbm.at[w], idx2.at[0])
        pltpu.sync_copy(pos_hbm.at[w], pos2.at[0])

        iota = lax.iota(jnp.int32, LANES)
        row16 = [iota + d0 for d0 in range(0, D, LANES)]

        def fire_gather(j):
            li = j // NCHUNK
            c = j % NCHUNK
            slot = j % NBUF
            pltpu.async_copy(
                tok_hbm.at[idx2.at[li & 1, pl.ds(c * CHUNK, CHUNK)]],
                rows_all.at[slot],
                gsem.at[slot],
            )

        def drain(dummy_src, dst, sem):
            pltpu.make_async_copy(dummy_src, dst, sem).wait()

        for j0 in range(NBUF - 1):
            @pl.when(j0 < nj)
            def _():
                fire_gather(jnp.int32(j0))

        def body(j, _):
            li = j // NCHUNK
            c = j % NCHUNK
            slot = j % NBUF
            xb = (j >> 1) & 1
            l = w + li * NW

            @pl.when(jnp.logical_and(c == 8, li + 1 < n_l))
            def _():
                nb = (li + 1) & 1
                pltpu.async_copy(seq_hbm.at[w + (li + 1) * NW],
                                 idx2.at[nb], isem)
                pltpu.async_copy(pos_hbm.at[w + (li + 1) * NW],
                                 pos2.at[nb], isem)

            @pl.when(jnp.logical_and(c == NCHUNK - (NBUF - 1),
                                     li + 1 < n_l))
            def _():
                drain(seq_hbm.at[0], idx2.at[0], isem)
                drain(pos_hbm.at[0], pos2.at[0], isem)

            @pl.when(j + NBUF - 1 < nj)
            def _():
                fire_gather(j + NBUF - 1)

            drain(tok_hbm.at[pl.ds(0, CHUNK)], rows_all.at[slot],
                  gsem.at[slot])

            @pl.when(jnp.logical_and((j & 1) == 0, (j >> 1) >= 2))
            def _():
                drain(out_hbm.at[0, :, pl.ds(0, WPAIR * CHUNK)],
                      xout_all.at[xb, :, pl.ds(0, WPAIR * CHUNK)],
                      osem.at[xb])

            pcol = [pos2[li & 1, pl.ds(d0, LANES)]
                    for d0 in range(0, D, LANES)]

            cbase = (c & 1) * CHUNK

            def r_body(r2, _):
                r = r2 * 4
                vs = []
                for u in range(4):
                    colv = jnp.full((LANES,), cbase + r + u, jnp.int32)
                    for k in range(D // LANES):
                        vs.append((
                            rows_all[slot, r + u, pl.ds(k * LANES, LANES)]
                            + pcol[k],
                            row16[k], colv))
                for v, rowv, colv in vs:
                    plsc.store_scatter(xout_all.at[xb], [rowv, colv], v)
                return 0

            lax.fori_loop(0, CHUNK // 4, r_body, 0)

            @pl.when((j & 1) == 1)
            def _():
                pltpu.async_copy(
                    xout_all.at[xb, :, pl.ds(0, WPAIR * CHUNK)],
                    out_hbm.at[l, :, pl.ds((c - 1) * CHUNK, WPAIR * CHUNK)],
                    osem.at[xb],
                )
            return 0

        lax.fori_loop(0, nj, body, 0)

        for xb in range(2):
            drain(out_hbm.at[0, :, pl.ds(0, WPAIR * CHUNK)],
                  xout_all.at[xb, :, pl.ds(0, WPAIR * CHUNK)], osem.at[xb])

    return run


def kernel(seq, token_table, pos_table):
    out = _build()(seq.T, token_table, pos_table)
    return jnp.transpose(out, (2, 0, 1))

# --- scband reference (transcript-rebuilt; emitter-appended) ---
"""Pipeline reference for scband-seq-embedding-75505525064155 (READ-ONLY COPY).

The authoritative reference and input builder live on the scoring server;
editing this copy changes nothing except your own understanding.
"""

import jax, jax.numpy as jnp
import numpy as np

VOCAB = 1000000
MAX_LEN = 200
DEPTH = 64
BATCH = 4096
SEQ_LEN = 200


def setup_inputs(seed: int = 0) -> dict:
    key = jax.random.key(seed)
    k_seq, k_tok, k_pos = jax.random.split(key, 3)
    seq = jax.random.randint(k_seq, (BATCH, SEQ_LEN), 0, VOCAB, dtype=jnp.int64 if jax.config.jax_enable_x64 else jnp.int32)
    token_table = jax.random.normal(k_tok, (VOCAB, DEPTH), dtype=jnp.float32) * 0.02
    pos_table = jax.random.normal(k_pos, (MAX_LEN, DEPTH), dtype=jnp.float32) * 0.02
    return {"seq": seq, "token_table": token_table, "pos_table": pos_table}


def reference(seq, token_table, pos_table):
    # token embedding lookup (gather): [B, L] -> [B, L, D]
    tok = jnp.take(token_table, seq, axis=0)
    # positional embedding for positions 0..L-1, broadcast over batch
    positions = jnp.arange(seq.shape[1])
    pos = jnp.take(pos_table, positions, axis=0)[jnp.newaxis, :, :]
    # Add (broadcast): [B, L, D] + [1, L, D]
    return tok + pos

if __name__ == "__main__":
    import jax
    _d = setup_inputs()
    print(jax.jit(kernel)(*tuple(_d.values())))

</pallas_src>

<mosaic_0001>
#map = affine_map<(d0, d1) -> (0, 0)>
#map1 = affine_map<(d0, d1) -> (0, 0, 0)>
module attributes {stable_mosaic.version = 14 : i64} {
  func.func @run(%arg0: i32, %arg1: i32, %arg2: memref<200x4096xi32, #tpu.memory_space<hbm>>, %arg3: memref<1000000x64xf32, #tpu.memory_space<hbm>>, %arg4: memref<200x64xf32, #tpu.memory_space<hbm>>, %arg5: memref<200x64x4096xf32, #tpu.memory_space<hbm>>, %arg6: memref<2x4096xi32, #tpu.memory_space<vmem>>, %arg7: memref<2x64xf32, #tpu.memory_space<vmem>>, %arg8: memref<3x256x64xf32, #tpu.memory_space<vmem>>, %arg9: memref<2x64x513xf32, #tpu.memory_space<vmem>>, %arg10: memref<3x!tpu.dma_semaphore, #tpu.memory_space<semaphore_mem>>, %arg11: memref<2x!tpu.dma_semaphore, #tpu.memory_space<semaphore_mem>>, %arg12: memref<!tpu.dma_semaphore, #tpu.memory_space<semaphore_mem>>) attributes {dimension_semantics = [#tpu.dimension_semantics<core_parallel>, #tpu.dimension_semantics<subcore_parallel>], iteration_bounds = array<i64: 2, 16>, scalar_prefetch = 0 : i64, scratch_operands = 7 : i64, tpu.core_type = #tpu.core_type<sc_vector_subcore>, window_params = [{transform_indices = #map}, {transform_indices = #map}, {transform_indices = #map}, {transform_indices = #map1}]} {
    %mul3A = arith.constant 2 : i32
    %mul3A_0 = arith.muli %arg1, %mul3A : i32
    %add3A = arith.addi %mul3A_0, %arg0 : i32
    %sub3A = arith.constant 199 : i32
    %sub3A_1 = arith.subi %sub3A, %add3A : i32
    %jit3A = arith.constant 32 : i32
    %div3A = arith.divsi %sub3A_1, %jit3A : i32
    %sign3A = arith.constant 0 : i32
    %sign3A_2 = arith.cmpi sgt, %sub3A_1, %sign3A : i32
    %sign3A_3 = arith.extui %sign3A_2 : i1 to i32
    %sign3A_4 = arith.constant 0 : i32
    %sign3A_5 = arith.cmpi slt, %sub3A_1, %sign3A_4 : i32
    %sign3A_6 = arith.extui %sign3A_5 : i1 to i32
    %sign3A_7 = arith.subi %sign3A_3, %sign3A_6 : i32
    %sign3A_8 = arith.constant 0 : i32
    %sign3A_9 = arith.cmpi sgt, %jit3A, %sign3A_8 : i32
    %sign3A_10 = arith.extui %sign3A_9 : i1 to i32
    %sign3A_11 = arith.constant 0 : i32
    %sign3A_12 = arith.cmpi slt, %jit3A, %sign3A_11 : i32
    %sign3A_13 = arith.extui %sign3A_12 : i1 to i32
    %sign3A_14 = arith.subi %sign3A_10, %sign3A_13 : i32
    %ne3A = arith.cmpi ne, %sign3A_7, %sign3A_14 : i32
    %rem3A = arith.remsi %sub3A_1, %jit3A : i32
    %ne3A_15 = arith.constant 0 : i32
    %ne3A_16 = arith.cmpi ne, %rem3A, %ne3A_15 : i32
    %and3A = arith.andi %ne3A, %ne3A_16 : i1
    %sub3A_17 = arith.constant 1 : i32
    %sub3A_18 = arith.subi %div3A, %sub3A_17 : i32
    %select_n3A = arith.select %and3A, %sub3A_18, %div3A : i32
    %add3A_19 = arith.constant 1 : i32
    %add3A_20 = arith.addi %select_n3A, %add3A_19 : i32
    %mul3A_21 = arith.constant 16 : i32
    %mul3A_22 = arith.muli %add3A_20, %mul3A_21 : i32
    %run_scoped3A = arith.constant 0 : i32
    "tpu.region"() ({
      %run_scoped3A_95 = tpu.sem_alloc : memref<!tpu.dma_semaphore, #tpu.memory_space<semaphore_mem>>
      %dma_start3A = arith.constant 0 : i32
      %dma_start3A_96 = tpu.memref_slice %arg6[%run_scoped3A, %dma_start3A] : memref<2x4096xi32, #tpu.memory_space<vmem>> -> memref<1x4096xi32, #tpu.memory_space<vmem>>
      %dma_start3A_97 = tpu.memref_squeeze %dma_start3A_96 : memref<1x4096xi32, #tpu.memory_space<vmem>> -> memref<4096xi32, #tpu.memory_space<vmem>>
      %dma_start3A_98 = arith.constant 0 : i32
      %dma_start3A_99 = tpu.memref_slice %arg2[%add3A, %dma_start3A_98] : memref<200x4096xi32, #tpu.memory_space<hbm>> -> memref<1x4096xi32, #tpu.memory_space<hbm>>
      %dma_start3A_100 = tpu.memref_squeeze %dma_start3A_99 : memref<1x4096xi32, #tpu.memory_space<hbm>> -> memref<4096xi32, #tpu.memory_space<hbm>>
      %dma_start3A_101 = arith.constant 0 : i32
      %dma_start3A_102 = tpu.memref_slice %arg6[%run_scoped3A, %dma_start3A_101] : memref<2x4096xi32, #tpu.memory_space<vmem>> -> memref<1x4096xi32, #tpu.memory_space<vmem>>
      %dma_start3A_103 = tpu.memref_squeeze %dma_start3A_102 : memref<1x4096xi32, #tpu.memory_space<vmem>> -> memref<4096xi32, #tpu.memory_space<vmem>>
      %dma_start3A_104 = arith.constant 0 : i32
      %dma_start3A_105 = tpu.memref_slice %arg2[%add3A, %dma_start3A_104] : memref<200x4096xi32, #tpu.memory_space<hbm>> -> memref<1x4096xi32, #tpu.memory_space<hbm>>
      %dma_start3A_106 = tpu.memref_squeeze %dma_start3A_105 : memref<1x4096xi32, #tpu.memory_space<hbm>> -> memref<4096xi32, #tpu.memory_space<hbm>>
      tpu.enqueue_dma source(%dma_start3A_106 : memref<4096xi32, #tpu.memory_space<hbm>>) target(%dma_start3A_103 : memref<4096xi32, #tpu.memory_space<vmem>>) target_semaphore(%run_scoped3A_95 : memref<!tpu.dma_semaphore, #tpu.memory_space<semaphore_mem>>)
      %dma_wait3A_107 = arith.constant 0 : i32
      %dma_wait3A_108 = tpu.memref_slice %arg6[%run_scoped3A, %dma_wait3A_107] : memref<2x4096xi32, #tpu.memory_space<vmem>> -> memref<1x4096xi32, #tpu.memory_space<vmem>>
      %dma_wait3A_109 = tpu.memref_squeeze %dma_wait3A_108 : memref<1x4096xi32, #tpu.memory_space<vmem>> -> memref<4096xi32, #tpu.memory_space<vmem>>
      %dma_wait3A_110 = arith.constant 0 : i32
      %dma_wait3A_111 = tpu.memref_slice %arg2[%add3A, %dma_wait3A_110] : memref<200x4096xi32, #tpu.memory_space<hbm>> -> memref<1x4096xi32, #tpu.memory_space<hbm>>
      %dma_wait3A_112 = tpu.memref_squeeze %dma_wait3A_111 : memref<1x4096xi32, #tpu.memory_space<hbm>> -> memref<4096xi32, #tpu.memory_space<hbm>>
      %dma_wait3A_113 = arith.constant 0 : i32
      %dma_wait3A_114 = tpu.memref_slice %arg6[%run_scoped3A, %dma_wait3A_113] : memref<2x4096xi32, #tpu.memory_space<vmem>> -> memref<1x4096xi32, #tpu.memory_space<vmem>>
      %dma_wait3A_115 = tpu.memref_squeeze %dma_wait3A_114 : memref<1x4096xi32, #tpu.memory_space<vmem>> -> memref<4096xi32, #tpu.memory_space<vmem>>
      %dma_wait3A_116 = arith.constant 0 : i32
      %dma_wait3A_117 = tpu.memref_slice %arg2[%add3A, %dma_wait3A_116] : memref<200x4096xi32, #tpu.memory_space<hbm>> -> memref<1x4096xi32, #tpu.memory_space<hbm>>
      %dma_wait3A_118 = tpu.memref_squeeze %dma_wait3A_117 : memref<1x4096xi32, #tpu.memory_space<hbm>> -> memref<4096xi32, #tpu.memory_space<hbm>>
      tpu.wait_dma2 semaphore(%run_scoped3A_95 : memref<!tpu.dma_semaphore, #tpu.memory_space<semaphore_mem>>) src(%dma_wait3A_118 : memref<4096xi32, #tpu.memory_space<hbm>>) dst(%dma_wait3A_115 : memref<4096xi32, #tpu.memory_space<vmem>>)
      tpu.yield
    }) : () -> ()
    %run_scoped3A_23 = arith.constant 0 : i32
    "tpu.region"() ({
      %run_scoped3A_95 = tpu.sem_alloc : memref<!tpu.dma_semaphore, #tpu.memory_space<semaphore_mem>>
      %dma_start3A = arith.constant 0 : i32
      %dma_start3A_96 = tpu.memref_slice %arg7[%run_scoped3A_23, %dma_start3A] : memref<2x64xf32, #tpu.memory_space<vmem>> -> memref<1x64xf32, #tpu.memory_space<vmem>>
      %dma_start3A_97 = tpu.memref_squeeze %dma_start3A_96 : memref<1x64xf32, #tpu.memory_space<vmem>> -> memref<64xf32, #tpu.memory_space<vmem>>
      %dma_start3A_98 = arith.constant 0 : i32
      %dma_start3A_99 = tpu.memref_slice %arg4[%add3A, %dma_start3A_98] : memref<200x64xf32, #tpu.memory_space<hbm>> -> memref<1x64xf32, #tpu.memory_space<hbm>>
      %dma_start3A_100 = tpu.memref_squeeze %dma_start3A_99 : memref<1x64xf32, #tpu.memory_space<hbm>> -> memref<64xf32, #tpu.memory_space<hbm>>
      %dma_start3A_101 = arith.constant 0 : i32
      %dma_start3A_102 = tpu.memref_slice %arg7[%run_scoped3A_23, %dma_start3A_101] : memref<2x64xf32, #tpu.memory_space<vmem>> -> memref<1x64xf32, #tpu.memory_space<vmem>>
      %dma_start3A_103 = tpu.memref_squeeze %dma_start3A_102 : memref<1x64xf32, #tpu.memory_space<vmem>> -> memref<64xf32, #tpu.memory_space<vmem>>
      %dma_start3A_104 = arith.constant 0 : i32
      %dma_start3A_105 = tpu.memref_slice %arg4[%add3A, %dma_start3A_104] : memref<200x64xf32, #tpu.memory_space<hbm>> -> memref<1x64xf32, #tpu.memory_space<hbm>>
      %dma_start3A_106 = tpu.memref_squeeze %dma_start3A_105 : memref<1x64xf32, #tpu.memory_space<hbm>> -> memref<64xf32, #tpu.memory_space<hbm>>
      tpu.enqueue_dma source(%dma_start3A_106 : memref<64xf32, #tpu.memory_space<hbm>>) target(%dma_start3A_103 : memref<64xf32, #tpu.memory_space<vmem>>) target_semaphore(%run_scoped3A_95 : memref<!tpu.dma_semaphore, #tpu.memory_space<semaphore_mem>>)
      %dma_wait3A_107 = arith.constant 0 : i32
      %dma_wait3A_108 = tpu.memref_slice %arg7[%run_scoped3A_23, %dma_wait3A_107] : memref<2x64xf32, #tpu.memory_space<vmem>> -> memref<1x64xf32, #tpu.memory_space<vmem>>
      %dma_wait3A_109 = tpu.memref_squeeze %dma_wait3A_108 : memref<1x64xf32, #tpu.memory_space<vmem>> -> memref<64xf32, #tpu.memory_space<vmem>>
      %dma_wait3A_110 = arith.constant 0 : i32
      %dma_wait3A_111 = tpu.memref_slice %arg4[%add3A, %dma_wait3A_110] : memref<200x64xf32, #tpu.memory_space<hbm>> -> memref<1x64xf32, #tpu.memory_space<hbm>>
      %dma_wait3A_112 = tpu.memref_squeeze %dma_wait3A_111 : memref<1x64xf32, #tpu.memory_space<hbm>> -> memref<64xf32, #tpu.memory_space<hbm>>
      %dma_wait3A_113 = arith.constant 0 : i32
      %dma_wait3A_114 = tpu.memref_slice %arg7[%run_scoped3A_23, %dma_wait3A_113] : memref<2x64xf32, #tpu.memory_space<vmem>> -> memref<1x64xf32, #tpu.memory_space<vmem>>
      %dma_wait3A_115 = tpu.memref_squeeze %dma_wait3A_114 : memref<1x64xf32, #tpu.memory_space<vmem>> -> memref<64xf32, #tpu.memory_space<vmem>>
      %dma_wait3A_116 = arith.constant 0 : i32
      %dma_wait3A_117 = tpu.memref_slice %arg4[%add3A, %dma_wait3A_116] : memref<200x64xf32, #tpu.memory_space<hbm>> -> memref<1x64xf32, #tpu.memory_space<hbm>>
      %dma_wait3A_118 = tpu.memref_squeeze %dma_wait3A_117 : memref<1x64xf32, #tpu.memory_space<hbm>> -> memref<64xf32, #tpu.memory_space<hbm>>
      tpu.wait_dma2 semaphore(%run_scoped3A_95 : memref<!tpu.dma_semaphore, #tpu.memory_space<semaphore_mem>>) src(%dma_wait3A_118 : memref<64xf32, #tpu.memory_space<hbm>>) dst(%dma_wait3A_115 : memref<64xf32, #tpu.memory_space<vmem>>)
      tpu.yield
    }) : () -> ()
    %iota3A = tpu.iota {dimensions = array<i32: 0>} : vector<16xi32>
    %add3A_24 = arith.constant 0 : i32
    %add3A_25 = vector.broadcast %add3A_24 : i32 to vector<16xi32>
    %add3A_26 = arith.addi %iota3A, %add3A_25 : vector<16xi32>
    %add3A_27 = arith.constant 16 : i32
    %add3A_28 = vector.broadcast %add3A_27 : i32 to vector<16xi32>
    %add3A_29 = arith.addi %iota3A, %add3A_28 : vector<16xi32>
    %add3A_30 = arith.constant 32 : i32
    %add3A_31 = vector.broadcast %add3A_30 : i32 to vector<16xi32>
    %add3A_32 = arith.addi %iota3A, %add3A_31 : vector<16xi32>
    %add3A_33 = arith.constant 48 : i32
    %add3A_34 = vector.broadcast %add3A_33 : i32 to vector<16xi32>
    %add3A_35 = arith.addi %iota3A, %add3A_34 : vector<16xi32>
    %gt3A = arith.constant 0 : i32
    %gt3A_36 = arith.cmpi sgt, %mul3A_22, %gt3A : i32
    %convert_element_type3A = arith.extui %gt3A_36 : i1 to i32
    %cond3A = arith.constant 0 : i32
    %cond3A_37 = arith.cmpi ne, %convert_element_type3A, %cond3A : i32
    scf.if %cond3A_37 {
      %jit3A_95 = arith.constant 0 : i32
      %jit3A_96 = arith.constant 16 : i32
      %div3A_97 = arith.divsi %jit3A_95, %jit3A_96 : i32
      %sign3A_98 = arith.constant 0 : i32
      %sign3A_99 = arith.cmpi sgt, %jit3A_95, %sign3A_98 : i32
      %sign3A_100 = arith.extui %sign3A_99 : i1 to i32
      %sign3A_101 = arith.constant 0 : i32
      %sign3A_102 = arith.cmpi slt, %jit3A_95, %sign3A_101 : i32
      %sign3A_103 = arith.extui %sign3A_102 : i1 to i32
      %sign3A_104 = arith.subi %sign3A_100, %sign3A_103 : i32
      %sign3A_105 = arith.constant 0 : i32
      %sign3A_106 = arith.cmpi sgt, %jit3A_96, %sign3A_105 : i32
      %sign3A_107 = arith.extui %sign3A_106 : i1 to i32
      %sign3A_108 = arith.constant 0 : i32
      %sign3A_109 = arith.cmpi slt, %jit3A_96, %sign3A_108 : i32
      %sign3A_110 = arith.extui %sign3A_109 : i1 to i32
      %sign3A_111 = arith.subi %sign3A_107, %sign3A_110 : i32
      %ne3A_112 = arith.cmpi ne, %sign3A_104, %sign3A_111 : i32
      %rem3A_113 = arith.remsi %jit3A_95, %jit3A_96 : i32
      %ne3A_114 = arith.constant 0 : i32
      %ne3A_115 = arith.cmpi ne, %rem3A_113, %ne3A_114 : i32
      %and3A_116 = arith.andi %ne3A_112, %ne3A_115 : i1
      %sub3A_117 = arith.constant 1 : i32
      %sub3A_118 = arith.subi %div3A_97, %sub3A_117 : i32
      %select_n3A_119 = arith.select %and3A_116, %sub3A_118, %div3A_97 : i32
      %jit3A_120 = arith.constant 0 : i32
      %jit3A_121 = arith.constant 16 : i32
      %eq3A = arith.constant 0 : i32
      %eq3A_122 = arith.cmpi eq, %jit3A_121, %eq3A : i32
      %jit3A_123 = arith.constant 1 : i32
      %select_n3A_124 = arith.select %eq3A_122, %jit3A_123, %jit3A_121 : i32
      %rem3A_125 = arith.remsi %jit3A_120, %select_n3A_124 : i32
      %ne3A_126 = arith.constant 0 : i32
      %ne3A_127 = arith.cmpi ne, %rem3A_125, %ne3A_126 : i32
      %lt3A = arith.constant 0 : i32
      %lt3A_128 = arith.cmpi slt, %rem3A_125, %lt3A : i32
      %lt3A_129 = arith.constant 0 : i32
      %lt3A_130 = arith.cmpi slt, %select_n3A_124, %lt3A_129 : i32
      %ne3A_131 = arith.xori %lt3A_128, %lt3A_130 : i1
      %and3A_132 = arith.andi %ne3A_131, %ne3A_127 : i1
      %add3A_133 = arith.addi %rem3A_125, %select_n3A_124 : i32
      %select_n3A_134 = arith.select %and3A_132, %add3A_133, %rem3A_125 : i32
      %jit3A_135 = arith.constant 0 : i32
      %jit3A_136 = arith.constant 3 : i32
      %eq3A_137 = arith.constant 0 : i32
      %eq3A_138 = arith.cmpi eq, %jit3A_136, %eq3A_137 : i32
      %jit3A_139 = arith.constant 1 : i32
      %select_n3A_140 = arith.select %eq3A_138, %jit3A_139, %jit3A_136 : i32
      %rem3A_141 = arith.remsi %jit3A_135, %select_n3A_140 : i32
      %ne3A_142 = arith.constant 0 : i32
      %ne3A_143 = arith.cmpi ne, %rem3A_141, %ne3A_142 : i32
      %lt3A_144 = arith.constant 0 : i32
      %lt3A_145 = arith.cmpi slt, %rem3A_141, %lt3A_144 : i32
      %lt3A_146 = arith.constant 0 : i32
      %lt3A_147 = arith.cmpi slt, %select_n3A_140, %lt3A_146 : i32
      %ne3A_148 = arith.xori %lt3A_145, %lt3A_147 : i1
      %and3A_149 = arith.andi %ne3A_148, %ne3A_143 : i1
      %add3A_150 = arith.addi %rem3A_141, %select_n3A_140 : i32
      %select_n3A_151 = arith.select %and3A_149, %add3A_150, %rem3A_141 : i32
      %and3A_152 = arith.constant 1 : i32
      %and3A_153 = arith.andi %select_n3A_119, %and3A_152 : i32
      %mul3A_154 = arith.constant 256 : i32
      %mul3A_155 = arith.muli %select_n3A_134, %mul3A_154 : i32
      %dma_start3A = arith.constant 0 : i32
      %dma_start3A_156 = arith.constant 0 : i32
      %dma_start3A_157 = tpu.memref_slice %arg8[%select_n3A_151, %dma_start3A, %dma_start3A_156] : memref<3x256x64xf32, #tpu.memory_space<vmem>> -> memref<1x256x64xf32, #tpu.memory_space<vmem>>
      %dma_start3A_158 = tpu.memref_squeeze %dma_start3A_157 : memref<1x256x64xf32, #tpu.memory_space<vmem>> -> memref<256x64xf32, #tpu.memory_space<vmem>>
      %dma_start3A_159 = tpu.memref_slice %arg6[%and3A_153, %mul3A_155] : memref<2x4096xi32, #tpu.memory_space<vmem>> -> memref<1x256xi32, #tpu.memory_space<vmem>>
      %dma_start3A_160 = tpu.memref_squeeze %dma_start3A_159 : memref<1x256xi32, #tpu.memory_space<vmem>> -> memref<256xi32, #tpu.memory_space<vmem>>
      %dma_start3A_161 = arith.constant 0 : i32
      %dma_start3A_162 = arith.constant 0 : i32
      %dma_start3A_163 = tpu.memref_slice %arg3[%dma_start3A_161, %dma_start3A_162] : memref<1000000x64xf32, #tpu.memory_space<hbm>> -> memref<1000000x64xf32, #tpu.memory_space<hbm>>
      %dma_start3A_164 = tpu.memref_slice %arg10[%select_n3A_151] : memref<3x!tpu.dma_semaphore, #tpu.memory_space<semaphore_mem>> -> memref<1x!tpu.dma_semaphore, #tpu.memory_space<semaphore_mem>>
      %dma_start3A_165 = tpu.memref_squeeze %dma_start3A_164 : memref<1x!tpu.dma_semaphore, #tpu.memory_space<semaphore_mem>> -> memref<!tpu.dma_semaphore, #tpu.memory_space<semaphore_mem>>
      tpu.enqueue_indirect_dma source(%dma_start3A_163 : memref<1000000x64xf32, #tpu.memory_space<hbm>>) target(%dma_start3A_158 : memref<256x64xf32, #tpu.memory_space<vmem>>) offsets(%dma_start3A_160 : memref<256xi32, #tpu.memory_space<vmem>>) semaphore(%dma_start3A_165 : memref<!tpu.dma_semaphore, #tpu.memory_space<semaphore_mem>>)
    } else {
    }
    %gt3A_38 = arith.constant 1 : i32
    %gt3A_39 = arith.cmpi sgt, %mul3A_22, %gt3A_38 : i32
    %convert_element_type3A_40 = arith.extui %gt3A_39 : i1 to i32
    %cond3A_41 = arith.constant 0 : i32
    %cond3A_42 = arith.cmpi ne, %convert_element_type3A_40, %cond3A_41 : i32
    scf.if %cond3A_42 {
      %jit3A_95 = arith.constant 1 : i32
      %jit3A_96 = arith.constant 16 : i32
      %div3A_97 = arith.divsi %jit3A_95, %jit3A_96 : i32
      %sign3A_98 = arith.constant 0 : i32
      %sign3A_99 = arith.cmpi sgt, %jit3A_95, %sign3A_98 : i32
      %sign3A_100 = arith.extui %sign3A_99 : i1 to i32
      %sign3A_101 = arith.constant 0 : i32
      %sign3A_102 = arith.cmpi slt, %jit3A_95, %sign3A_101 : i32
      %sign3A_103 = arith.extui %sign3A_102 : i1 to i32
      %sign3A_104 = arith.subi %sign3A_100, %sign3A_103 : i32
      %sign3A_105 = arith.constant 0 : i32
      %sign3A_106 = arith.cmpi sgt, %jit3A_96, %sign3A_105 : i32
      %sign3A_107 = arith.extui %sign3A_106 : i1 to i32
      %sign3A_108 = arith.constant 0 : i32
      %sign3A_109 = arith.cmpi slt, %jit3A_96, %sign3A_108 : i32
      %sign3A_110 = arith.extui %sign3A_109 : i1 to i32
      %sign3A_111 = arith.subi %sign3A_107, %sign3A_110 : i32
      %ne3A_112 = arith.cmpi ne, %sign3A_104, %sign3A_111 : i32
      %rem3A_113 = arith.remsi %jit3A_95, %jit3A_96 : i32
      %ne3A_114 = arith.constant 0 : i32
      %ne3A_115 = arith.cmpi ne, %rem3A_113, %ne3A_114 : i32
      %and3A_116 = arith.andi %ne3A_112, %ne3A_115 : i1
      %sub3A_117 = arith.constant 1 : i32
      %sub3A_118 = arith.subi %div3A_97, %sub3A_117 : i32
      %select_n3A_119 = arith.select %and3A_116, %sub3A_118, %div3A_97 : i32
      %jit3A_120 = arith.constant 1 : i32
      %jit3A_121 = arith.constant 16 : i32
      %eq3A = arith.constant 0 : i32
      %eq3A_122 = arith.cmpi eq, %jit3A_121, %eq3A : i32
      %jit3A_123 = arith.constant 1 : i32
      %select_n3A_124 = arith.select %eq3A_122, %jit3A_123, %jit3A_121 : i32
      %rem3A_125 = arith.remsi %jit3A_120, %select_n3A_124 : i32
      %ne3A_126 = arith.constant 0 : i32
      %ne3A_127 = arith.cmpi ne, %rem3A_125, %ne3A_126 : i32
      %lt3A = arith.constant 0 : i32
      %lt3A_128 = arith.cmpi slt, %rem3A_125, %lt3A : i32
      %lt3A_129 = arith.constant 0 : i32
      %lt3A_130 = arith.cmpi slt, %select_n3A_124, %lt3A_129 : i32
      %ne3A_131 = arith.xori %lt3A_128, %lt3A_130 : i1
      %and3A_132 = arith.andi %ne3A_131, %ne3A_127 : i1
      %add3A_133 = arith.addi %rem3A_125, %select_n3A_124 : i32
      %select_n3A_134 = arith.select %and3A_132, %add3A_133, %rem3A_125 : i32
      %jit3A_135 = arith.constant 1 : i32
      %jit3A_136 = arith.constant 3 : i32
      %eq3A_137 = arith.constant 0 : i32
      %eq3A_138 = arith.cmpi eq, %jit3A_136, %eq3A_137 : i32
      %jit3A_139 = arith.constant 1 : i32
      %select_n3A_140 = arith.select %eq3A_138, %jit3A_139, %jit3A_136 : i32
      %rem3A_141 = arith.remsi %jit3A_135, %select_n3A_140 : i32
      %ne3A_142 = arith.constant 0 : i32
      %ne3A_143 = arith.cmpi ne, %rem3A_141, %ne3A_142 : i32
      %lt3A_144 = arith.constant 0 : i32
      %lt3A_145 = arith.cmpi slt, %rem3A_141, %lt3A_144 : i32
      %lt3A_146 = arith.constant 0 : i32
      %lt3A_147 = arith.cmpi slt, %select_n3A_140, %lt3A_146 : i32
      %ne3A_148 = arith.xori %lt3A_145, %lt3A_147 : i1
      %and3A_149 = arith.andi %ne3A_148, %ne3A_143 : i1
      %add3A_150 = arith.addi %rem3A_141, %select_n3A_140 : i32
      %select_n3A_151 = arith.select %and3A_149, %add3A_150, %rem3A_141 : i32
      %and3A_152 = arith.constant 1 : i32
      %and3A_153 = arith.andi %select_n3A_119, %and3A_152 : i32
      %mul3A_154 = arith.constant 256 : i32
      %mul3A_155 = arith.muli %select_n3A_134, %mul3A_154 : i32
      %dma_start3A = arith.constant 0 : i32
      %dma_start3A_156 = arith.constant 0 : i32
      %dma_start3A_157 = tpu.memref_slice %arg8[%select_n3A_151, %dma_start3A, %dma_start3A_156] : memref<3x256x64xf32, #tpu.memory_space<vmem>> -> memref<1x256x64xf32, #tpu.memory_space<vmem>>
      %dma_start3A_158 = tpu.memref_squeeze %dma_start3A_157 : memref<1x256x64xf32, #tpu.memory_space<vmem>> -> memref<256x64xf32, #tpu.memory_space<vmem>>
      %dma_start3A_159 = tpu.memref_slice %arg6[%and3A_153, %mul3A_155] : memref<2x4096xi32, #tpu.memory_space<vmem>> -> memref<1x256xi32, #tpu.memory_space<vmem>>
      %dma_start3A_160 = tpu.memref_squeeze %dma_start3A_159 : memref<1x256xi32, #tpu.memory_space<vmem>> -> memref<256xi32, #tpu.memory_space<vmem>>
      %dma_start3A_161 = arith.constant 0 : i32
      %dma_start3A_162 = arith.constant 0 : i32
      %dma_start3A_163 = tpu.memref_slice %arg3[%dma_start3A_161, %dma_start3A_162] : memref<1000000x64xf32, #tpu.memory_space<hbm>> -> memref<1000000x64xf32, #tpu.memory_space<hbm>>
      %dma_start3A_164 = tpu.memref_slice %arg10[%select_n3A_151] : memref<3x!tpu.dma_semaphore, #tpu.memory_space<semaphore_mem>> -> memref<1x!tpu.dma_semaphore, #tpu.memory_space<semaphore_mem>>
      %dma_start3A_165 = tpu.memref_squeeze %dma_start3A_164 : memref<1x!tpu.dma_semaphore, #tpu.memory_space<semaphore_mem>> -> memref<!tpu.dma_semaphore, #tpu.memory_space<semaphore_mem>>
      tpu.enqueue_indirect_dma source(%dma_start3A_163 : memref<1000000x64xf32, #tpu.memory_space<hbm>>) target(%dma_start3A_158 : memref<256x64xf32, #tpu.memory_space<vmem>>) offsets(%dma_start3A_160 : memref<256xi32, #tpu.memory_space<vmem>>) semaphore(%dma_start3A_165 : memref<!tpu.dma_semaphore, #tpu.memory_space<semaphore_mem>>)
    } else {
    }
    %while3A = arith.constant 0 : i32
    %while3A_43 = arith.constant 0 : i32
    %while3A_44 = arith.subi %mul3A_22, %while3A : i32
    %while3A_45 = arith.addi %while3A, %while3A_44 : i32
    %while3A_46 = arith.constant 1 : i32
    %while3A_47 = arith.divsi %while3A_44, %while3A_46 : i32
    %while3A_48 = arith.muli %while3A_47, %while3A_46 : i32
    %while3A_49 = arith.addi %while3A, %while3A_48 : i32
    %while3A_50 = arith.constant 1 : i32
    %while3A_51 = scf.for %while3A_95 = %while3A to %while3A_49 step %while3A_50 iter_args(%while3A_96 = %while3A_43) -> (i32)  : i32 {
      %jit3A_97 = arith.constant 16 : i32
      %div3A_98 = arith.divsi %while3A_95, %jit3A_97 : i32
      %sign3A_99 = arith.constant 0 : i32
      %sign3A_100 = arith.cmpi sgt, %while3A_95, %sign3A_99 : i32
      %sign3A_101 = arith.extui %sign3A_100 : i1 to i32
      %sign3A_102 = arith.constant 0 : i32
      %sign3A_103 = arith.cmpi slt, %while3A_95, %sign3A_102 : i32
      %sign3A_104 = arith.extui %sign3A_103 : i1 to i32
      %sign3A_105 = arith.subi %sign3A_101, %sign3A_104 : i32
      %sign3A_106 = arith.constant 0 : i32
      %sign3A_107 = arith.cmpi sgt, %jit3A_97, %sign3A_106 : i32
      %sign3A_108 = arith.extui %sign3A_107 : i1 to i32
      %sign3A_109 = arith.constant 0 : i32
      %sign3A_110 = arith.cmpi slt, %jit3A_97, %sign3A_109 : i32
      %sign3A_111 = arith.extui %sign3A_110 : i1 to i32
      %sign3A_112 = arith.subi %sign3A_108, %sign3A_111 : i32
      %ne3A_113 = arith.cmpi ne, %sign3A_105, %sign3A_112 : i32
      %rem3A_114 = arith.remsi %while3A_95, %jit3A_97 : i32
      %ne3A_115 = arith.constant 0 : i32
      %ne3A_116 = arith.cmpi ne, %rem3A_114, %ne3A_115 : i32
      %and3A_117 = arith.andi %ne3A_113, %ne3A_116 : i1
      %sub3A_118 = arith.constant 1 : i32
      %sub3A_119 = arith.subi %div3A_98, %sub3A_118 : i32
      %select_n3A_120 = arith.select %and3A_117, %sub3A_119, %div3A_98 : i32
      %jit3A_121 = arith.constant 16 : i32
      %eq3A = arith.constant 0 : i32
      %eq3A_122 = arith.cmpi eq, %jit3A_121, %eq3A : i32
      %jit3A_123 = arith.constant 1 : i32
      %select_n3A_124 = arith.select %eq3A_122, %jit3A_123, %jit3A_121 : i32
      %rem3A_125 = arith.remsi %while3A_95, %select_n3A_124 : i32
      %ne3A_126 = arith.constant 0 : i32
      %ne3A_127 = arith.cmpi ne, %rem3A_125, %ne3A_126 : i32
      %lt3A = arith.constant 0 : i32
      %lt3A_128 = arith.cmpi slt, %rem3A_125, %lt3A : i32
      %lt3A_129 = arith.constant 0 : i32
      %lt3A_130 = arith.cmpi slt, %select_n3A_124, %lt3A_129 : i32
      %ne3A_131 = arith.xori %lt3A_128, %lt3A_130 : i1
      %and3A_132 = arith.andi %ne3A_131, %ne3A_127 : i1
      %add3A_133 = arith.addi %rem3A_125, %select_n3A_124 : i32
      %select_n3A_134 = arith.select %and3A_132, %add3A_133, %rem3A_125 : i32
      %jit3A_135 = arith.constant 3 : i32
      %eq3A_136 = arith.constant 0 : i32
      %eq3A_137 = arith.cmpi eq, %jit3A_135, %eq3A_136 : i32
      %jit3A_138 = arith.constant 1 : i32
      %select_n3A_139 = arith.select %eq3A_137, %jit3A_138, %jit3A_135 : i32
      %rem3A_140 = arith.remsi %while3A_95, %select_n3A_139 : i32
      %ne3A_141 = arith.constant 0 : i32
      %ne3A_142 = arith.cmpi ne, %rem3A_140, %ne3A_141 : i32
      %lt3A_143 = arith.constant 0 : i32
      %lt3A_144 = arith.cmpi slt, %rem3A_140, %lt3A_143 : i32
      %lt3A_145 = arith.constant 0 : i32
      %lt3A_146 = arith.cmpi slt, %select_n3A_139, %lt3A_145 : i32
      %ne3A_147 = arith.xori %lt3A_144, %lt3A_146 : i1
      %and3A_148 = arith.andi %ne3A_147, %ne3A_142 : i1
      %add3A_149 = arith.addi %rem3A_140, %select_n3A_139 : i32
      %select_n3A_150 = arith.select %and3A_148, %add3A_149, %rem3A_140 : i32
      %shift_right_arithmetic3A = arith.constant 1 : i32
      %shift_right_arithmetic3A_151 = arith.shrsi %while3A_95, %shift_right_arithmetic3A : i32
      %and3A_152 = arith.constant 1 : i32
      %and3A_153 = arith.andi %shift_right_arithmetic3A_151, %and3A_152 : i32
      %mul3A_154 = arith.constant 32 : i32
      %mul3A_155 = arith.muli %select_n3A_120, %mul3A_154 : i32
      %add3A_156 = arith.addi %add3A, %mul3A_155 : i32
      %eq3A_157 = arith.constant 8 : i32
      %eq3A_158 = arith.cmpi eq, %select_n3A_134, %eq3A_157 : i32
      %add3A_159 = arith.constant 1 : i32
      %add3A_160 = arith.addi %select_n3A_120, %add3A_159 : i32
      %lt3A_161 = arith.cmpi slt, %add3A_160, %add3A_20 : i32
      %and3A_162 = arith.andi %eq3A_158, %lt3A_161 : i1
      %convert_element_type3A_163 = arith.extui %and3A_162 : i1 to i32
      %cond3A_164 = arith.constant 0 : i32
      %cond3A_165 = arith.cmpi ne, %convert_element_type3A_163, %cond3A_164 : i32
      scf.if %cond3A_165 {
        %add3A_247 = arith.constant 1 : i32
        %add3A_248 = arith.addi %select_n3A_120, %add3A_247 : i32
        %and3A_249 = arith.constant 1 : i32
        %and3A_250 = arith.andi %add3A_248, %and3A_249 : i32
        %add3A_251 = arith.constant 1 : i32
        %add3A_252 = arith.addi %select_n3A_120, %add3A_251 : i32
        %mul3A_253 = arith.constant 32 : i32
        %mul3A_254 = arith.muli %add3A_252, %mul3A_253 : i32
        %add3A_255 = arith.addi %add3A, %mul3A_254 : i32
        %dma_start3A = arith.constant 0 : i32
        %dma_start3A_256 = tpu.memref_slice %arg6[%and3A_250, %dma_start3A] : memref<2x4096xi32, #tpu.memory_space<vmem>> -> memref<1x4096xi32, #tpu.memory_space<vmem>>
        %dma_start3A_257 = tpu.memref_squeeze %dma_start3A_256 : memref<1x4096xi32, #tpu.memory_space<vmem>> -> memref<4096xi32, #tpu.memory_space<vmem>>
        %dma_start3A_258 = arith.constant 0 : i32
        %dma_start3A_259 = tpu.memref_slice %arg2[%add3A_255, %dma_start3A_258] : memref<200x4096xi32, #tpu.memory_space<hbm>> -> memref<1x4096xi32, #tpu.memory_space<hbm>>
        %dma_start3A_260 = tpu.memref_squeeze %dma_start3A_259 : memref<1x4096xi32, #tpu.memory_space<hbm>> -> memref<4096xi32, #tpu.memory_space<hbm>>
        %dma_start3A_261 = arith.constant 0 : i32
        %dma_start3A_262 = tpu.memref_slice %arg6[%and3A_250, %dma_start3A_261] : memref<2x4096xi32, #tpu.memory_space<vmem>> -> memref<1x4096xi32, #tpu.memory_space<vmem>>
        %dma_start3A_263 = tpu.memref_squeeze %dma_start3A_262 : memref<1x4096xi32, #tpu.memory_space<vmem>> -> memref<4096xi32, #tpu.memory_space<vmem>>
        %dma_start3A_264 = arith.constant 0 : i32
        %dma_start3A_265 = tpu.memref_slice %arg2[%add3A_255, %dma_start3A_264] : memref<200x4096xi32, #tpu.memory_space<hbm>> -> memref<1x4096xi32, #tpu.memory_space<hbm>>
        %dma_start3A_266 = tpu.memref_squeeze %dma_start3A_265 : memref<1x4096xi32, #tpu.memory_space<hbm>> -> memref<4096xi32, #tpu.memory_space<hbm>>
        tpu.enqueue_dma source(%dma_start3A_266 : memref<4096xi32, #tpu.memory_space<hbm>>) target(%dma_start3A_263 : memref<4096xi32, #tpu.memory_space<vmem>>) target_semaphore(%arg12 : memref<!tpu.dma_semaphore, #tpu.memory_space<semaphore_mem>>)
        %add3A_267 = arith.constant 1 : i32
        %add3A_268 = arith.addi %select_n3A_120, %add3A_267 : i32
        %mul3A_269 = arith.constant 32 : i32
        %mul3A_270 = arith.muli %add3A_268, %mul3A_269 : i32
        %add3A_271 = arith.addi %add3A, %mul3A_270 : i32
        %dma_start3A_272 = arith.constant 0 : i32
        %dma_start3A_273 = tpu.memref_slice %arg7[%and3A_250, %dma_start3A_272] : memref<2x64xf32, #tpu.memory_space<vmem>> -> memref<1x64xf32, #tpu.memory_space<vmem>>
        %dma_start3A_274 = tpu.memref_squeeze %dma_start3A_273 : memref<1x64xf32, #tpu.memory_space<vmem>> -> memref<64xf32, #tpu.memory_space<vmem>>
        %dma_start3A_275 = arith.constant 0 : i32
        %dma_start3A_276 = tpu.memref_slice %arg4[%add3A_271, %dma_start3A_275] : memref<200x64xf32, #tpu.memory_space<hbm>> -> memref<1x64xf32, #tpu.memory_space<hbm>>
        %dma_start3A_277 = tpu.memref_squeeze %dma_start3A_276 : memref<1x64xf32, #tpu.memory_space<hbm>> -> memref<64xf32, #tpu.memory_space<hbm>>
        %dma_start3A_278 = arith.constant 0 : i32
        %dma_start3A_279 = tpu.memref_slice %arg7[%and3A_250, %dma_start3A_278] : memref<2x64xf32, #tpu.memory_space<vmem>> -> memref<1x64xf32, #tpu.memory_space<vmem>>
        %dma_start3A_280 = tpu.memref_squeeze %dma_start3A_279 : memref<1x64xf32, #tpu.memory_space<vmem>> -> memref<64xf32, #tpu.memory_space<vmem>>
        %dma_start3A_281 = arith.constant 0 : i32
        %dma_start3A_282 = tpu.memref_slice %arg4[%add3A_271, %dma_start3A_281] : memref<200x64xf32, #tpu.memory_space<hbm>> -> memref<1x64xf32, #tpu.memory_space<hbm>>
        %dma_start3A_283 = tpu.memref_squeeze %dma_start3A_282 : memref<1x64xf32, #tpu.memory_space<hbm>> -> memref<64xf32, #tpu.memory_space<hbm>>
        tpu.enqueue_dma source(%dma_start3A_283 : memref<64xf32, #tpu.memory_space<hbm>>) target(%dma_start3A_280 : memref<64xf32, #tpu.memory_space<vmem>>) target_semaphore(%arg12 : memref<!tpu.dma_semaphore, #tpu.memory_space<semaphore_mem>>)
      } else {
      }
      %eq3A_166 = arith.constant 14 : i32
      %eq3A_167 = arith.cmpi eq, %select_n3A_134, %eq3A_166 : i32
      %add3A_168 = arith.constant 1 : i32
      %add3A_169 = arith.addi %select_n3A_120, %add3A_168 : i32
      %lt3A_170 = arith.cmpi slt, %add3A_169, %add3A_20 : i32
      %and3A_171 = arith.andi %eq3A_167, %lt3A_170 : i1
      %convert_element_type3A_172 = arith.extui %and3A_171 : i1 to i32
      %cond3A_173 = arith.constant 0 : i32
      %cond3A_174 = arith.cmpi ne, %convert_element_type3A_172, %cond3A_173 : i32
      scf.if %cond3A_174 {
        %dma_wait3A_247 = arith.constant 0 : i32
        %dma_wait3A_248 = arith.constant 0 : i32
        %dma_wait3A_249 = arith.constant 0 : i32
        %dma_wait3A_250 = tpu.memref_slice %arg6[%dma_wait3A_248, %dma_wait3A_249] : memref<2x4096xi32, #tpu.memory_space<vmem>> -> memref<1x4096xi32, #tpu.memory_space<vmem>>
        %dma_wait3A_251 = tpu.memref_squeeze %dma_wait3A_250 : memref<1x4096xi32, #tpu.memory_space<vmem>> -> memref<4096xi32, #tpu.memory_space<vmem>>
        %dma_wait3A_252 = arith.constant 0 : i32
        %dma_wait3A_253 = tpu.memref_slice %arg2[%dma_wait3A_247, %dma_wait3A_252] : memref<200x4096xi32, #tpu.memory_space<hbm>> -> memref<1x4096xi32, #tpu.memory_space<hbm>>
        %dma_wait3A_254 = tpu.memref_squeeze %dma_wait3A_253 : memref<1x4096xi32, #tpu.memory_space<hbm>> -> memref<4096xi32, #tpu.memory_space<hbm>>
        %dma_wait3A_255 = arith.constant 0 : i32
        %dma_wait3A_256 = tpu.memref_slice %arg6[%dma_wait3A_248, %dma_wait3A_255] : memref<2x4096xi32, #tpu.memory_space<vmem>> -> memref<1x4096xi32, #tpu.memory_space<vmem>>
        %dma_wait3A_257 = tpu.memref_squeeze %dma_wait3A_256 : memref<1x4096xi32, #tpu.memory_space<vmem>> -> memref<4096xi32, #tpu.memory_space<vmem>>
        %dma_wait3A_258 = arith.constant 0 : i32
        %dma_wait3A_259 = tpu.memref_slice %arg2[%dma_wait3A_247, %dma_wait3A_258] : memref<200x4096xi32, #tpu.memory_space<hbm>> -> memref<1x4096xi32, #tpu.memory_space<hbm>>
        %dma_wait3A_260 = tpu.memref_squeeze %dma_wait3A_259 : memref<1x4096xi32, #tpu.memory_space<hbm>> -> memref<4096xi32, #tpu.memory_space<hbm>>
        tpu.wait_dma2 semaphore(%arg12 : memref<!tpu.dma_semaphore, #tpu.memory_space<semaphore_mem>>) src(%dma_wait3A_260 : memref<4096xi32, #tpu.memory_space<hbm>>) dst(%dma_wait3A_257 : memref<4096xi32, #tpu.memory_space<vmem>>)
        %dma_wait3A_261 = arith.constant 0 : i32
        %dma_wait3A_262 = arith.constant 0 : i32
        %dma_wait3A_263 = arith.constant 0 : i32
        %dma_wait3A_264 = tpu.memref_slice %arg7[%dma_wait3A_262, %dma_wait3A_263] : memref<2x64xf32, #tpu.memory_space<vmem>> -> memref<1x64xf32, #tpu.memory_space<vmem>>
        %dma_wait3A_265 = tpu.memref_squeeze %dma_wait3A_264 : memref<1x64xf32, #tpu.memory_space<vmem>> -> memref<64xf32, #tpu.memory_space<vmem>>
        %dma_wait3A_266 = arith.constant 0 : i32
        %dma_wait3A_267 = tpu.memref_slice %arg4[%dma_wait3A_261, %dma_wait3A_266] : memref<200x64xf32, #tpu.memory_space<hbm>> -> memref<1x64xf32, #tpu.memory_space<hbm>>
        %dma_wait3A_268 = tpu.memref_squeeze %dma_wait3A_267 : memref<1x64xf32, #tpu.memory_space<hbm>> -> memref<64xf32, #tpu.memory_space<hbm>>
        %dma_wait3A_269 = arith.constant 0 : i32
        %dma_wait3A_270 = tpu.memref_slice %arg7[%dma_wait3A_262, %dma_wait3A_269] : memref<2x64xf32, #tpu.memory_space<vmem>> -> memref<1x64xf32, #tpu.memory_space<vmem>>
        %dma_wait3A_271 = tpu.memref_squeeze %dma_wait3A_270 : memref<1x64xf32, #tpu.memory_space<vmem>> -> memref<64xf32, #tpu.memory_space<vmem>>
        %dma_wait3A_272 = arith.constant 0 : i32
        %dma_wait3A_273 = tpu.memref_slice %arg4[%dma_wait3A_261, %dma_wait3A_272] : memref<200x64xf32, #tpu.memory_space<hbm>> -> memref<1x64xf32, #tpu.memory_space<hbm>>
        %dma_wait3A_274 = tpu.memref_squeeze %dma_wait3A_273 : memref<1x64xf32, #tpu.memory_space<hbm>> -> memref<64xf32, #tpu.memory_space<hbm>>
        tpu.wait_dma2 semaphore(%arg12 : memref<!tpu.dma_semaphore, #tpu.memory_space<semaphore_mem>>) src(%dma_wait3A_274 : memref<64xf32, #tpu.memory_space<hbm>>) dst(%dma_wait3A_271 : memref<64xf32, #tpu.memory_space<vmem>>)
      } else {
      }
      %add3A_175 = arith.constant 3 : i32
      %add3A_176 = arith.addi %while3A_95, %add3A_175 : i32
      %sub3A_177 = arith.constant 1 : i32
      %sub3A_178 = arith.subi %add3A_176, %sub3A_177 : i32
      %lt3A_179 = arith.cmpi slt, %sub3A_178, %mul3A_22 : i32
      %convert_element_type3A_180 = arith.extui %lt3A_179 : i1 to i32
      %cond3A_181 = arith.constant 0 : i32
      %cond3A_182 = arith.cmpi ne, %convert_element_type3A_180, %cond3A_181 : i32
      scf.if %cond3A_182 {
        %add3A_247 = arith.constant 3 : i32
        %add3A_248 = arith.addi %while3A_95, %add3A_247 : i32
        %sub3A_249 = arith.constant 1 : i32
        %sub3A_250 = arith.subi %add3A_248, %sub3A_249 : i32
        %jit3A_251 = arith.constant 16 : i32
        %div3A_252 = arith.divsi %sub3A_250, %jit3A_251 : i32
        %sign3A_253 = arith.constant 0 : i32
        %sign3A_254 = arith.cmpi sgt, %sub3A_250, %sign3A_253 : i32
        %sign3A_255 = arith.extui %sign3A_254 : i1 to i32
        %sign3A_256 = arith.constant 0 : i32
        %sign3A_257 = arith.cmpi slt, %sub3A_250, %sign3A_256 : i32
        %sign3A_258 = arith.extui %sign3A_257 : i1 to i32
        %sign3A_259 = arith.subi %sign3A_255, %sign3A_258 : i32
        %sign3A_260 = arith.constant 0 : i32
        %sign3A_261 = arith.cmpi sgt, %jit3A_251, %sign3A_260 : i32
        %sign3A_262 = arith.extui %sign3A_261 : i1 to i32
        %sign3A_263 = arith.constant 0 : i32
        %sign3A_264 = arith.cmpi slt, %jit3A_251, %sign3A_263 : i32
        %sign3A_265 = arith.extui %sign3A_264 : i1 to i32
        %sign3A_266 = arith.subi %sign3A_262, %sign3A_265 : i32
        %ne3A_267 = arith.cmpi ne, %sign3A_259, %sign3A_266 : i32
        %rem3A_268 = arith.remsi %sub3A_250, %jit3A_251 : i32
        %ne3A_269 = arith.constant 0 : i32
        %ne3A_270 = arith.cmpi ne, %rem3A_268, %ne3A_269 : i32
        %and3A_271 = arith.andi %ne3A_267, %ne3A_270 : i1
        %sub3A_272 = arith.constant 1 : i32
        %sub3A_273 = arith.subi %div3A_252, %sub3A_272 : i32
        %select_n3A_274 = arith.select %and3A_271, %sub3A_273, %div3A_252 : i32
        %jit3A_275 = arith.constant 16 : i32
        %eq3A_276 = arith.constant 0 : i32
        %eq3A_277 = arith.cmpi eq, %jit3A_275, %eq3A_276 : i32
        %jit3A_278 = arith.constant 1 : i32
        %select_n3A_279 = arith.select %eq3A_277, %jit3A_278, %jit3A_275 : i32
        %rem3A_280 = arith.remsi %sub3A_250, %select_n3A_279 : i32
        %ne3A_281 = arith.constant 0 : i32
        %ne3A_282 = arith.cmpi ne, %rem3A_280, %ne3A_281 : i32
        %lt3A_283 = arith.constant 0 : i32
        %lt3A_284 = arith.cmpi slt, %rem3A_280, %lt3A_283 : i32
        %lt3A_285 = arith.constant 0 : i32
        %lt3A_286 = arith.cmpi slt, %select_n3A_279, %lt3A_285 : i32
        %ne3A_287 = arith.xori %lt3A_284, %lt3A_286 : i1
        %and3A_288 = arith.andi %ne3A_287, %ne3A_282 : i1
        %add3A_289 = arith.addi %rem3A_280, %select_n3A_279 : i32
        %select_n3A_290 = arith.select %and3A_288, %add3A_289, %rem3A_280 : i32
        %jit3A_291 = arith.constant 3 : i32
        %eq3A_292 = arith.constant 0 : i32
        %eq3A_293 = arith.cmpi eq, %jit3A_291, %eq3A_292 : i32
        %jit3A_294 = arith.constant 1 : i32
        %select_n3A_295 = arith.select %eq3A_293, %jit3A_294, %jit3A_291 : i32
        %rem3A_296 = arith.remsi %sub3A_250, %select_n3A_295 : i32
        %ne3A_297 = arith.constant 0 : i32
        %ne3A_298 = arith.cmpi ne, %rem3A_296, %ne3A_297 : i32
        %lt3A_299 = arith.constant 0 : i32
        %lt3A_300 = arith.cmpi slt, %rem3A_296, %lt3A_299 : i32
        %lt3A_301 = arith.constant 0 : i32
        %lt3A_302 = arith.cmpi slt, %select_n3A_295, %lt3A_301 : i32
        %ne3A_303 = arith.xori %lt3A_300, %lt3A_302 : i1
        %and3A_304 = arith.andi %ne3A_303, %ne3A_298 : i1
        %add3A_305 = arith.addi %rem3A_296, %select_n3A_295 : i32
        %select_n3A_306 = arith.select %and3A_304, %add3A_305, %rem3A_296 : i32
        %and3A_307 = arith.constant 1 : i32
        %and3A_308 = arith.andi %select_n3A_274, %and3A_307 : i32
        %mul3A_309 = arith.constant 256 : i32
        %mul3A_310 = arith.muli %select_n3A_290, %mul3A_309 : i32
        %dma_start3A = arith.constant 0 : i32
        %dma_start3A_311 = arith.constant 0 : i32
        %dma_start3A_312 = tpu.memref_slice %arg8[%select_n3A_306, %dma_start3A, %dma_start3A_311] : memref<3x256x64xf32, #tpu.memory_space<vmem>> -> memref<1x256x64xf32, #tpu.memory_space<vmem>>
        %dma_start3A_313 = tpu.memref_squeeze %dma_start3A_312 : memref<1x256x64xf32, #tpu.memory_space<vmem>> -> memref<256x64xf32, #tpu.memory_space<vmem>>
        %dma_start3A_314 = tpu.memref_slice %arg6[%and3A_308, %mul3A_310] : memref<2x4096xi32, #tpu.memory_space<vmem>> -> memref<1x256xi32, #tpu.memory_space<vmem>>
        %dma_start3A_315 = tpu.memref_squeeze %dma_start3A_314 : memref<1x256xi32, #tpu.memory_space<vmem>> -> memref<256xi32, #tpu.memory_space<vmem>>
        %dma_start3A_316 = arith.constant 0 : i32
        %dma_start3A_317 = arith.constant 0 : i32
        %dma_start3A_318 = tpu.memref_slice %arg3[%dma_start3A_316, %dma_start3A_317] : memref<1000000x64xf32, #tpu.memory_space<hbm>> -> memref<1000000x64xf32, #tpu.memory_space<hbm>>
        %dma_start3A_319 = tpu.memref_slice %arg10[%select_n3A_306] : memref<3x!tpu.dma_semaphore, #tpu.memory_space<semaphore_mem>> -> memref<1x!tpu.dma_semaphore, #tpu.memory_space<semaphore_mem>>
        %dma_start3A_320 = tpu.memref_squeeze %dma_start3A_319 : memref<1x!tpu.dma_semaphore, #tpu.memory_space<semaphore_mem>> -> memref<!tpu.dma_semaphore, #tpu.memory_space<semaphore_mem>>
        tpu.enqueue_indirect_dma source(%dma_start3A_318 : memref<1000000x64xf32, #tpu.memory_space<hbm>>) target(%dma_start3A_313 : memref<256x64xf32, #tpu.memory_space<vmem>>) offsets(%dma_start3A_315 : memref<256xi32, #tpu.memory_space<vmem>>) semaphore(%dma_start3A_320 : memref<!tpu.dma_semaphore, #tpu.memory_space<semaphore_mem>>)
      } else {
      }
      %dma_wait3A_183 = arith.constant 0 : i32
      %dma_wait3A_184 = arith.constant 0 : i32
      %dma_wait3A_185 = tpu.memref_slice %arg8[%select_n3A_150, %dma_wait3A_183, %dma_wait3A_184] : memref<3x256x64xf32, #tpu.memory_space<vmem>> -> memref<1x256x64xf32, #tpu.memory_space<vmem>>
      %dma_wait3A_186 = tpu.memref_squeeze %dma_wait3A_185 : memref<1x256x64xf32, #tpu.memory_space<vmem>> -> memref<256x64xf32, #tpu.memory_space<vmem>>
      %dma_wait3A_187 = arith.constant 0 : i32
      %dma_wait3A_188 = arith.constant 0 : i32
      %dma_wait3A_189 = tpu.memref_slice %arg3[%dma_wait3A_187, %dma_wait3A_188] : memref<1000000x64xf32, #tpu.memory_space<hbm>> -> memref<256x64xf32, #tpu.memory_space<hbm>>
      %dma_wait3A_190 = tpu.memref_slice %arg10[%select_n3A_150] : memref<3x!tpu.dma_semaphore, #tpu.memory_space<semaphore_mem>> -> memref<1x!tpu.dma_semaphore, #tpu.memory_space<semaphore_mem>>
      %dma_wait3A_191 = tpu.memref_squeeze %dma_wait3A_190 : memref<1x!tpu.dma_semaphore, #tpu.memory_space<semaphore_mem>> -> memref<!tpu.dma_semaphore, #tpu.memory_space<semaphore_mem>>
      %dma_wait3A_192 = arith.constant 0 : i32
      %dma_wait3A_193 = arith.constant 0 : i32
      %dma_wait3A_194 = tpu.memref_slice %arg8[%select_n3A_150, %dma_wait3A_192, %dma_wait3A_193] : memref<3x256x64xf32, #tpu.memory_space<vmem>> -> memref<1x256x64xf32, #tpu.memory_space<vmem>>
      %dma_wait3A_195 = tpu.memref_squeeze %dma_wait3A_194 : memref<1x256x64xf32, #tpu.memory_space<vmem>> -> memref<256x64xf32, #tpu.memory_space<vmem>>
      %dma_wait3A_196 = arith.constant 0 : i32
      %dma_wait3A_197 = arith.constant 0 : i32
      %dma_wait3A_198 = tpu.memref_slice %arg3[%dma_wait3A_196, %dma_wait3A_197] : memref<1000000x64xf32, #tpu.memory_space<hbm>> -> memref<256x64xf32, #tpu.memory_space<hbm>>
      tpu.wait_dma2 semaphore(%dma_wait3A_191 : memref<!tpu.dma_semaphore, #tpu.memory_space<semaphore_mem>>) src(%dma_wait3A_198 : memref<256x64xf32, #tpu.memory_space<hbm>>) dst(%dma_wait3A_195 : memref<256x64xf32, #tpu.memory_space<vmem>>)
      %and3A_199 = arith.constant 1 : i32
      %and3A_200 = arith.andi %while3A_95, %and3A_199 : i32
      %eq3A_201 = arith.constant 0 : i32
      %eq3A_202 = arith.cmpi eq, %and3A_200, %eq3A_201 : i32
      %shift_right_arithmetic3A_203 = arith.constant 1 : i32
      %shift_right_arithmetic3A_204 = arith.shrsi %while3A_95, %shift_right_arithmetic3A_203 : i32
      %ge3A = arith.constant 2 : i32
      %ge3A_205 = arith.cmpi sge, %shift_right_arithmetic3A_204, %ge3A : i32
      %and3A_206 = arith.andi %eq3A_202, %ge3A_205 : i1
      %convert_element_type3A_207 = arith.extui %and3A_206 : i1 to i32
      %cond3A_208 = arith.constant 0 : i32
      %cond3A_209 = arith.cmpi ne, %convert_element_type3A_207, %cond3A_208 : i32
      scf.if %cond3A_209 {
        %dma_wait3A_247 = arith.constant 0 : i32
        %dma_wait3A_248 = arith.constant 0 : i32
        %dma_wait3A_249 = arith.constant 0 : i32
        %dma_wait3A_250 = tpu.memref_slice %arg9[%and3A_153, %dma_wait3A_248, %dma_wait3A_249] : memref<2x64x513xf32, #tpu.memory_space<vmem>> -> memref<1x64x512xf32, #tpu.memory_space<vmem>>
        %dma_wait3A_251 = tpu.memref_squeeze %dma_wait3A_250 : memref<1x64x512xf32, #tpu.memory_space<vmem>> -> memref<64x512xf32, #tpu.memory_space<vmem>>
        %dma_wait3A_252 = arith.constant 0 : i32
        %dma_wait3A_253 = arith.constant 0 : i32
        %dma_wait3A_254 = tpu.memref_slice %arg5[%dma_wait3A_247, %dma_wait3A_252, %dma_wait3A_253] : memref<200x64x4096xf32, #tpu.memory_space<hbm>> -> memref<1x64x512xf32, #tpu.memory_space<hbm>>
        %dma_wait3A_255 = tpu.memref_squeeze %dma_wait3A_254 : memref<1x64x512xf32, #tpu.memory_space<hbm>> -> memref<64x512xf32, #tpu.memory_space<hbm>>
        %dma_wait3A_256 = tpu.memref_slice %arg11[%and3A_153] : memref<2x!tpu.dma_semaphore, #tpu.memory_space<semaphore_mem>> -> memref<1x!tpu.dma_semaphore, #tpu.memory_space<semaphore_mem>>
        %dma_wait3A_257 = tpu.memref_squeeze %dma_wait3A_256 : memref<1x!tpu.dma_semaphore, #tpu.memory_space<semaphore_mem>> -> memref<!tpu.dma_semaphore, #tpu.memory_space<semaphore_mem>>
        %dma_wait3A_258 = arith.constant 0 : i32
        %dma_wait3A_259 = arith.constant 0 : i32
        %dma_wait3A_260 = tpu.memref_slice %arg9[%and3A_153, %dma_wait3A_258, %dma_wait3A_259] : memref<2x64x513xf32, #tpu.memory_space<vmem>> -> memref<1x64x512xf32, #tpu.memory_space<vmem>>
        %dma_wait3A_261 = tpu.memref_squeeze %dma_wait3A_260 : memref<1x64x512xf32, #tpu.memory_space<vmem>> -> memref<64x512xf32, #tpu.memory_space<vmem>>
        %dma_wait3A_262 = arith.constant 0 : i32
        %dma_wait3A_263 = arith.constant 0 : i32
        %dma_wait3A_264 = tpu.memref_slice %arg5[%dma_wait3A_247, %dma_wait3A_262, %dma_wait3A_263] : memref<200x64x4096xf32, #tpu.memory_space<hbm>> -> memref<1x64x512xf32, #tpu.memory_space<hbm>>
        %dma_wait3A_265 = tpu.memref_squeeze %dma_wait3A_264 : memref<1x64x512xf32, #tpu.memory_space<hbm>> -> memref<64x512xf32, #tpu.memory_space<hbm>>
        tpu.wait_dma2 semaphore(%dma_wait3A_257 : memref<!tpu.dma_semaphore, #tpu.memory_space<semaphore_mem>>) src(%dma_wait3A_265 : memref<64x512xf32, #tpu.memory_space<hbm>>) dst(%dma_wait3A_261 : memref<64x512xf32, #tpu.memory_space<vmem>>)
      } else {
      }
      %and3A_210 = arith.constant 1 : i32
      %and3A_211 = arith.andi %select_n3A_120, %and3A_210 : i32
      %get3A = arith.index_cast %and3A_211 : i32 to index
      %get3A_212 = arith.constant 0 : index
      %get3A_213 = tpu.vector_load %arg7[%get3A, %get3A_212] {strides = array<i32>} : memref<2x64xf32, #tpu.memory_space<vmem>>, vector<16xf32>,
      %and3A_214 = arith.constant 1 : i32
      %and3A_215 = arith.andi %select_n3A_120, %and3A_214 : i32
      %get3A_216 = arith.index_cast %and3A_215 : i32 to index
      %get3A_217 = arith.constant 16 : index
      %get3A_218 = tpu.vector_load %arg7[%get3A_216, %get3A_217] {strides = array<i32>} : memref<2x64xf32, #tpu.memory_space<vmem>>, vector<16xf32>,
      %and3A_219 = arith.constant 1 : i32
      %and3A_220 = arith.andi %select_n3A_120, %and3A_219 : i32
      %get3A_221 = arith.index_cast %and3A_220 : i32 to index
      %get3A_222 = arith.constant 32 : index
      %get3A_223 = tpu.vector_load %arg7[%get3A_221, %get3A_222] {strides = array<i32>} : memref<2x64xf32, #tpu.memory_space<vmem>>, vector<16xf32>,
      %and3A_224 = arith.constant 1 : i32
      %and3A_225 = arith.andi %select_n3A_120, %and3A_224 : i32
      %get3A_226 = arith.index_cast %and3A_225 : i32 to index
      %get3A_227 = arith.constant 48 : index
      %get3A_228 = tpu.vector_load %arg7[%get3A_226, %get3A_227] {strides = array<i32>} : memref<2x64xf32, #tpu.memory_space<vmem>>, vector<16xf32>,
      %and3A_229 = arith.constant 1 : i32
      %and3A_230 = arith.andi %select_n3A_134, %and3A_229 : i32
      %mul3A_231 = arith.constant 256 : i32
      %mul3A_232 = arith.muli %and3A_230, %mul3A_231 : i32
      %scan3A = arith.constant 0 : i32
      %scan3A_233 = arith.constant 0 : i32
      %scan3A_234 = arith.constant 64 : i32
      %scan3A_235 = arith.addi %scan3A_233, %scan3A_234 : i32
      %scan3A_236 = arith.constant 1 : i32
      %scan3A_237 = scf.for %scan3A_247 = %scan3A_233 to %scan3A_235 step %scan3A_236 iter_args(%scan3A_248 = %scan3A) -> (i32)  : i32 {
        %mul3A_249 = arith.constant 4 : i32
        %mul3A_250 = arith.muli %scan3A_247, %mul3A_249 : i32
        %add3A_251 = arith.addi %mul3A_232, %mul3A_250 : i32
        %add3A_252 = arith.constant 0 : i32
        %add3A_253 = arith.addi %add3A_251, %add3A_252 : i32
        %broadcast_in_dim3A = vector.broadcast %add3A_253 : i32 to vector<16xi32>
        %add3A_254 = arith.constant 0 : i32
        %add3A_255 = arith.addi %mul3A_250, %add3A_254 : i32
        %get3A_256 = arith.index_cast %select_n3A_150 : i32 to index
        %get3A_257 = arith.index_cast %add3A_255 : i32 to index
        %get3A_258 = arith.constant 0 : index
        %get3A_259 = tpu.vector_load %arg8[%get3A_256, %get3A_257, %get3A_258] {strides = array<i32>} : memref<3x256x64xf32, #tpu.memory_space<vmem>>, vector<16xf32>,
        %add3A_260 = arith.addf %get3A_259, %get3A_213 : vector<16xf32>
        %add3A_261 = arith.constant 0 : i32
        %add3A_262 = arith.addi %mul3A_250, %add3A_261 : i32
        %get3A_263 = arith.index_cast %select_n3A_150 : i32 to index
        %get3A_264 = arith.index_cast %add3A_262 : i32 to index
        %get3A_265 = arith.constant 16 : index
        %get3A_266 = tpu.vector_load %arg8[%get3A_263, %get3A_264, %get3A_265] {strides = array<i32>} : memref<3x256x64xf32, #tpu.memory_space<vmem>>, vector<16xf32>,
        %add3A_267 = arith.addf %get3A_266, %get3A_218 : vector<16xf32>
        %add3A_268 = arith.constant 0 : i32
        %add3A_269 = arith.addi %mul3A_250, %add3A_268 : i32
        %get3A_270 = arith.index_cast %select_n3A_150 : i32 to index
        %get3A_271 = arith.index_cast %add3A_269 : i32 to index
        %get3A_272 = arith.constant 32 : index
        %get3A_273 = tpu.vector_load %arg8[%get3A_270, %get3A_271, %get3A_272] {strides = array<i32>} : memref<3x256x64xf32, #tpu.memory_space<vmem>>, vector<16xf32>,
        %add3A_274 = arith.addf %get3A_273, %get3A_223 : vector<16xf32>
        %add3A_275 = arith.constant 0 : i32
        %add3A_276 = arith.addi %mul3A_250, %add3A_275 : i32
        %get3A_277 = arith.index_cast %select_n3A_150 : i32 to index
        %get3A_278 = arith.index_cast %add3A_276 : i32 to index
        %get3A_279 = arith.constant 48 : index
        %get3A_280 = tpu.vector_load %arg8[%get3A_277, %get3A_278, %get3A_279] {strides = array<i32>} : memref<3x256x64xf32, #tpu.memory_space<vmem>>, vector<16xf32>,
        %add3A_281 = arith.addf %get3A_280, %get3A_228 : vector<16xf32>
        %add3A_282 = arith.addi %mul3A_232, %mul3A_250 : i32
        %add3A_283 = arith.constant 1 : i32
        %add3A_284 = arith.addi %add3A_282, %add3A_283 : i32
        %broadcast_in_dim3A_285 = vector.broadcast %add3A_284 : i32 to vector<16xi32>
        %add3A_286 = arith.constant 1 : i32
        %add3A_287 = arith.addi %mul3A_250, %add3A_286 : i32
        %get3A_288 = arith.index_cast %select_n3A_150 : i32 to index
        %get3A_289 = arith.index_cast %add3A_287 : i32 to index
        %get3A_290 = arith.constant 0 : index
        %get3A_291 = tpu.vector_load %arg8[%get3A_288, %get3A_289, %get3A_290] {strides = array<i32>} : memref<3x256x64xf32, #tpu.memory_space<vmem>>, vector<16xf32>,
        %add3A_292 = arith.addf %get3A_291, %get3A_213 : vector<16xf32>
        %add3A_293 = arith.constant 1 : i32
        %add3A_294 = arith.addi %mul3A_250, %add3A_293 : i32
        %get3A_295 = arith.index_cast %select_n3A_150 : i32 to index
        %get3A_296 = arith.index_cast %add3A_294 : i32 to index
        %get3A_297 = arith.constant 16 : index
        %get3A_298 = tpu.vector_load %arg8[%get3A_295, %get3A_296, %get3A_297] {strides = array<i32>} : memref<3x256x64xf32, #tpu.memory_space<vmem>>, vector<16xf32>,
        %add3A_299 = arith.addf %get3A_298, %get3A_218 : vector<16xf32>
        %add3A_300 = arith.constant 1 : i32
        %add3A_301 = arith.addi %mul3A_250, %add3A_300 : i32
        %get3A_302 = arith.index_cast %select_n3A_150 : i32 to index
        %get3A_303 = arith.index_cast %add3A_301 : i32 to index
        %get3A_304 = arith.constant 32 : index
        %get3A_305 = tpu.vector_load %arg8[%get3A_302, %get3A_303, %get3A_304] {strides = array<i32>} : memref<3x256x64xf32, #tpu.memory_space<vmem>>, vector<16xf32>,
        %add3A_306 = arith.addf %get3A_305, %get3A_223 : vector<16xf32>
        %add3A_307 = arith.constant 1 : i32
        %add3A_308 = arith.addi %mul3A_250, %add3A_307 : i32
        %get3A_309 = arith.index_cast %select_n3A_150 : i32 to index
        %get3A_310 = arith.index_cast %add3A_308 : i32 to index
        %get3A_311 = arith.constant 48 : index
        %get3A_312 = tpu.vector_load %arg8[%get3A_309, %get3A_310, %get3A_311] {strides = array<i32>} : memref<3x256x64xf32, #tpu.memory_space<vmem>>, vector<16xf32>,
        %add3A_313 = arith.addf %get3A_312, %get3A_228 : vector<16xf32>
        %add3A_314 = arith.addi %mul3A_232, %mul3A_250 : i32
        %add3A_315 = arith.constant 2 : i32
        %add3A_316 = arith.addi %add3A_314, %add3A_315 : i32
        %broadcast_in_dim3A_317 = vector.broadcast %add3A_316 : i32 to vector<16xi32>
        %add3A_318 = arith.constant 2 : i32
        %add3A_319 = arith.addi %mul3A_250, %add3A_318 : i32
        %get3A_320 = arith.index_cast %select_n3A_150 : i32 to index
        %get3A_321 = arith.index_cast %add3A_319 : i32 to index
        %get3A_322 = arith.constant 0 : index
        %get3A_323 = tpu.vector_load %arg8[%get3A_320, %get3A_321, %get3A_322] {strides = array<i32>} : memref<3x256x64xf32, #tpu.memory_space<vmem>>, vector<16xf32>,
        %add3A_324 = arith.addf %get3A_323, %get3A_213 : vector<16xf32>
        %add3A_325 = arith.constant 2 : i32
        %add3A_326 = arith.addi %mul3A_250, %add3A_325 : i32
        %get3A_327 = arith.index_cast %select_n3A_150 : i32 to index
        %get3A_328 = arith.index_cast %add3A_326 : i32 to index
        %get3A_329 = arith.constant 16 : index
        %get3A_330 = tpu.vector_load %arg8[%get3A_327, %get3A_328, %get3A_329] {strides = array<i32>} : memref<3x256x64xf32, #tpu.memory_space<vmem>>, vector<16xf32>,
        %add3A_331 = arith.addf %get3A_330, %get3A_218 : vector<16xf32>
        %add3A_332 = arith.constant 2 : i32
        %add3A_333 = arith.addi %mul3A_250, %add3A_332 : i32
        %get3A_334 = arith.index_cast %select_n3A_150 : i32 to index
        %get3A_335 = arith.index_cast %add3A_333 : i32 to index
        %get3A_336 = arith.constant 32 : index
        %get3A_337 = tpu.vector_load %arg8[%get3A_334, %get3A_335, %get3A_336] {strides = array<i32>} : memref<3x256x64xf32, #tpu.memory_space<vmem>>, vector<16xf32>,
        %add3A_338 = arith.addf %get3A_337, %get3A_223 : vector<16xf32>
        %add3A_339 = arith.constant 2 : i32
        %add3A_340 = arith.addi %mul3A_250, %add3A_339 : i32
        %get3A_341 = arith.index_cast %select_n3A_150 : i32 to index
        %get3A_342 = arith.index_cast %add3A_340 : i32 to index
        %get3A_343 = arith.constant 48 : index
        %get3A_344 = tpu.vector_load %arg8[%get3A_341, %get3A_342, %get3A_343] {strides = array<i32>} : memref<3x256x64xf32, #tpu.memory_space<vmem>>, vector<16xf32>,
        %add3A_345 = arith.addf %get3A_344, %get3A_228 : vector<16xf32>
        %add3A_346 = arith.addi %mul3A_232, %mul3A_250 : i32
        %add3A_347 = arith.constant 3 : i32
        %add3A_348 = arith.addi %add3A_346, %add3A_347 : i32
        %broadcast_in_dim3A_349 = vector.broadcast %add3A_348 : i32 to vector<16xi32>
        %add3A_350 = arith.constant 3 : i32
        %add3A_351 = arith.addi %mul3A_250, %add3A_350 : i32
        %get3A_352 = arith.index_cast %select_n3A_150 : i32 to index
        %get3A_353 = arith.index_cast %add3A_351 : i32 to index
        %get3A_354 = arith.constant 0 : index
        %get3A_355 = tpu.vector_load %arg8[%get3A_352, %get3A_353, %get3A_354] {strides = array<i32>} : memref<3x256x64xf32, #tpu.memory_space<vmem>>, vector<16xf32>,
        %add3A_356 = arith.addf %get3A_355, %get3A_213 : vector<16xf32>
        %add3A_357 = arith.constant 3 : i32
        %add3A_358 = arith.addi %mul3A_250, %add3A_357 : i32
        %get3A_359 = arith.index_cast %select_n3A_150 : i32 to index
        %get3A_360 = arith.index_cast %add3A_358 : i32 to index
        %get3A_361 = arith.constant 16 : index
        %get3A_362 = tpu.vector_load %arg8[%get3A_359, %get3A_360, %get3A_361] {strides = array<i32>} : memref<3x256x64xf32, #tpu.memory_space<vmem>>, vector<16xf32>,
        %add3A_363 = arith.addf %get3A_362, %get3A_218 : vector<16xf32>
        %add3A_364 = arith.constant 3 : i32
        %add3A_365 = arith.addi %mul3A_250, %add3A_364 : i32
        %get3A_366 = arith.index_cast %select_n3A_150 : i32 to index
        %get3A_367 = arith.index_cast %add3A_365 : i32 to index
        %get3A_368 = arith.constant 32 : index
        %get3A_369 = tpu.vector_load %arg8[%get3A_366, %get3A_367, %get3A_368] {strides = array<i32>} : memref<3x256x64xf32, #tpu.memory_space<vmem>>, vector<16xf32>,
        %add3A_370 = arith.addf %get3A_369, %get3A_223 : vector<16xf32>
        %add3A_371 = arith.constant 3 : i32
        %add3A_372 = arith.addi %mul3A_250, %add3A_371 : i32
        %get3A_373 = arith.index_cast %select_n3A_150 : i32 to index
        %get3A_374 = arith.index_cast %add3A_372 : i32 to index
        %get3A_375 = arith.constant 48 : index
        %get3A_376 = tpu.vector_load %arg8[%get3A_373, %get3A_374, %get3A_375] {strides = array<i32>} : memref<3x256x64xf32, #tpu.memory_space<vmem>>, vector<16xf32>,
        %add3A_377 = arith.addf %get3A_376, %get3A_228 : vector<16xf32>
        %scatter3A = arith.constant 0 : i32
        %scatter3A_378 = arith.constant 0 : i32
        %scatter3A_379 = tpu.memref_slice %arg9[%and3A_153, %scatter3A, %scatter3A_378] : memref<2x64x513xf32, #tpu.memory_space<vmem>> -> memref<1x64x513xf32, #tpu.memory_space<vmem>>
        %scatter3A_380 = tpu.memref_squeeze %scatter3A_379 : memref<1x64x513xf32, #tpu.memory_space<vmem>> -> memref<64x513xf32, #tpu.memory_space<vmem>>
        tpu.vector_store_idx %scatter3A_380[%add3A_26, %broadcast_in_dim3A], %add3A_260 : memref<64x513xf32, #tpu.memory_space<vmem>>[vector<16xi32>, vector<16xi32>], vector<16xf32>,
        %scatter3A_381 = arith.constant 0 : i32
        %scatter3A_382 = arith.constant 0 : i32
        %scatter3A_383 = tpu.memref_slice %arg9[%and3A_153, %scatter3A_381, %scatter3A_382] : memref<2x64x513xf32, #tpu.memory_space<vmem>> -> memref<1x64x513xf32, #tpu.memory_space<vmem>>
        %scatter3A_384 = tpu.memref_squeeze %scatter3A_383 : memref<1x64x513xf32, #tpu.memory_space<vmem>> -> memref<64x513xf32, #tpu.memory_space<vmem>>
        tpu.vector_store_idx %scatter3A_384[%add3A_29, %broadcast_in_dim3A], %add3A_267 : memref<64x513xf32, #tpu.memory_space<vmem>>[vector<16xi32>, vector<16xi32>], vector<16xf32>,
        %scatter3A_385 = arith.constant 0 : i32
        %scatter3A_386 = arith.constant 0 : i32
        %scatter3A_387 = tpu.memref_slice %arg9[%and3A_153, %scatter3A_385, %scatter3A_386] : memref<2x64x513xf32, #tpu.memory_space<vmem>> -> memref<1x64x513xf32, #tpu.memory_space<vmem>>
        %scatter3A_388 = tpu.memref_squeeze %scatter3A_387 : memref<1x64x513xf32, #tpu.memory_space<vmem>> -> memref<64x513xf32, #tpu.memory_space<vmem>>
        tpu.vector_store_idx %scatter3A_388[%add3A_32, %broadcast_in_dim3A], %add3A_274 : memref<64x513xf32, #tpu.memory_space<vmem>>[vector<16xi32>, vector<16xi32>], vector<16xf32>,
        %scatter3A_389 = arith.constant 0 : i32
        %scatter3A_390 = arith.constant 0 : i32
        %scatter3A_391 = tpu.memref_slice %arg9[%and3A_153, %scatter3A_389, %scatter3A_390] : memref<2x64x513xf32, #tpu.memory_space<vmem>> -> memref<1x64x513xf32, #tpu.memory_space<vmem>>
        %scatter3A_392 = tpu.memref_squeeze %scatter3A_391 : memref<1x64x513xf32, #tpu.memory_space<vmem>> -> memref<64x513xf32, #tpu.memory_space<vmem>>
        tpu.vector_store_idx %scatter3A_392[%add3A_35, %broadcast_in_dim3A], %add3A_281 : memref<64x513xf32, #tpu.memory_space<vmem>>[vector<16xi32>, vector<16xi32>], vector<16xf32>,
        %scatter3A_393 = arith.constant 0 : i32
        %scatter3A_394 = arith.constant 0 : i32
        %scatter3A_395 = tpu.memref_slice %arg9[%and3A_153, %scatter3A_393, %scatter3A_394] : memref<2x64x513xf32, #tpu.memory_space<vmem>> -> memref<1x64x513xf32, #tpu.memory_space<vmem>>
        %scatter3A_396 = tpu.memref_squeeze %scatter3A_395 : memref<1x64x513xf32, #tpu.memory_space<vmem>> -> memref<64x513xf32, #tpu.memory_space<vmem>>
        tpu.vector_store_idx %scatter3A_396[%add3A_26, %broadcast_in_dim3A_285], %add3A_292 : memref<64x513xf32, #tpu.memory_space<vmem>>[vector<16xi32>, vector<16xi32>], vector<16xf32>,
        %scatter3A_397 = arith.constant 0 : i32
        %scatter3A_398 = arith.constant 0 : i32
        %scatter3A_399 = tpu.memref_slice %arg9[%and3A_153, %scatter3A_397, %scatter3A_398] : memref<2x64x513xf32, #tpu.memory_space<vmem>> -> memref<1x64x513xf32, #tpu.memory_space<vmem>>
        %scatter3A_400 = tpu.memref_squeeze %scatter3A_399 : memref<1x64x513xf32, #tpu.memory_space<vmem>> -> memref<64x513xf32, #tpu.memory_space<vmem>>
        tpu.vector_store_idx %scatter3A_400[%add3A_29, %broadcast_in_dim3A_285], %add3A_299 : memref<64x513xf32, #tpu.memory_space<vmem>>[vector<16xi32>, vector<16xi32>], vector<16xf32>,
        %scatter3A_401 = arith.constant 0 : i32
        %scatter3A_402 = arith.constant 0 : i32
        %scatter3A_403 = tpu.memref_slice %arg9[%and3A_153, %scatter3A_401, %scatter3A_402] : memref<2x64x513xf32, #tpu.memory_space<vmem>> -> memref<1x64x513xf32, #tpu.memory_space<vmem>>
        %scatter3A_404 = tpu.memref_squeeze %scatter3A_403 : memref<1x64x513xf32, #tpu.memory_space<vmem>> -> memref<64x513xf32, #tpu.memory_space<vmem>>
        tpu.vector_store_idx %scatter3A_404[%add3A_32, %broadcast_in_dim3A_285], %add3A_306 : memref<64x513xf32, #tpu.memory_space<vmem>>[vector<16xi32>, vector<16xi32>], vector<16xf32>,
        %scatter3A_405 = arith.constant 0 : i32
        %scatter3A_406 = arith.constant 0 : i32
        %scatter3A_407 = tpu.memref_slice %arg9[%and3A_153, %scatter3A_405, %scatter3A_406] : memref<2x64x513xf32, #tpu.memory_space<vmem>> -> memref<1x64x513xf32, #tpu.memory_space<vmem>>
        %scatter3A_408 = tpu.memref_squeeze %scatter3A_407 : memref<1x64x513xf32, #tpu.memory_space<vmem>> -> memref<64x513xf32, #tpu.memory_space<vmem>>
        tpu.vector_store_idx %scatter3A_408[%add3A_35, %broadcast_in_dim3A_285], %add3A_313 : memref<64x513xf32, #tpu.memory_space<vmem>>[vector<16xi32>, vector<16xi32>], vector<16xf32>,
        %scatter3A_409 = arith.constant 0 : i32
        %scatter3A_410 = arith.constant 0 : i32
        %scatter3A_411 = tpu.memref_slice %arg9[%and3A_153, %scatter3A_409, %scatter3A_410] : memref<2x64x513xf32, #tpu.memory_space<vmem>> -> memref<1x64x513xf32, #tpu.memory_space<vmem>>
        %scatter3A_412 = tpu.memref_squeeze %scatter3A_411 : memref<1x64x513xf32, #tpu.memory_space<vmem>> -> memref<64x513xf32, #tpu.memory_space<vmem>>
        tpu.vector_store_idx %scatter3A_412[%add3A_26, %broadcast_in_dim3A_317], %add3A_324 : memref<64x513xf32, #tpu.memory_space<vmem>>[vector<16xi32>, vector<16xi32>], vector<16xf32>,
        %scatter3A_413 = arith.constant 0 : i32
        %scatter3A_414 = arith.constant 0 : i32
        %scatter3A_415 = tpu.memref_slice %arg9[%and3A_153, %scatter3A_413, %scatter3A_414] : memref<2x64x513xf32, #tpu.memory_space<vmem>> -> memref<1x64x513xf32, #tpu.memory_space<vmem>>
        %scatter3A_416 = tpu.memref_squeeze %scatter3A_415 : memref<1x64x513xf32, #tpu.memory_space<vmem>> -> memref<64x513xf32, #tpu.memory_space<vmem>>
        tpu.vector_store_idx %scatter3A_416[%add3A_29, %broadcast_in_dim3A_317], %add3A_331 : memref<64x513xf32, #tpu.memory_space<vmem>>[vector<16xi32>, vector<16xi32>], vector<16xf32>,
        %scatter3A_417 = arith.constant 0 : i32
        %scatter3A_418 = arith.constant 0 : i32
        %scatter3A_419 = tpu.memref_slice %arg9[%and3A_153, %scatter3A_417, %scatter3A_418] : memref<2x64x513xf32, #tpu.memory_space<vmem>> -> memref<1x64x513xf32, #tpu.memory_space<vmem>>
        %scatter3A_420 = tpu.memref_squeeze %scatter3A_419 : memref<1x64x513xf32, #tpu.memory_space<vmem>> -> memref<64x513xf32, #tpu.memory_space<vmem>>
        tpu.vector_store_idx %scatter3A_420[%add3A_32, %broadcast_in_dim3A_317], %add3A_338 : memref<64x513xf32, #tpu.memory_space<vmem>>[vector<16xi32>, vector<16xi32>], vector<16xf32>,
        %scatter3A_421 = arith.constant 0 : i32
        %scatter3A_422 = arith.constant 0 : i32
        %scatter3A_423 = tpu.memref_slice %arg9[%and3A_153, %scatter3A_421, %scatter3A_422] : memref<2x64x513xf32, #tpu.memory_space<vmem>> -> memref<1x64x513xf32, #tpu.memory_space<vmem>>
        %scatter3A_424 = tpu.memref_squeeze %scatter3A_423 : memref<1x64x513xf32, #tpu.memory_space<vmem>> -> memref<64x513xf32, #tpu.memory_space<vmem>>
        tpu.vector_store_idx %scatter3A_424[%add3A_35, %broadcast_in_dim3A_317], %add3A_345 : memref<64x513xf32, #tpu.memory_space<vmem>>[vector<16xi32>, vector<16xi32>], vector<16xf32>,
        %scatter3A_425 = arith.constant 0 : i32
        %scatter3A_426 = arith.constant 0 : i32
        %scatter3A_427 = tpu.memref_slice %arg9[%and3A_153, %scatter3A_425, %scatter3A_426] : memref<2x64x513xf32, #tpu.memory_space<vmem>> -> memref<1x64x513xf32, #tpu.memory_space<vmem>>
        %scatter3A_428 = tpu.memref_squeeze %scatter3A_427 : memref<1x64x513xf32, #tpu.memory_space<vmem>> -> memref<64x513xf32, #tpu.memory_space<vmem>>
        tpu.vector_store_idx %scatter3A_428[%add3A_26, %broadcast_in_dim3A_349], %add3A_356 : memref<64x513xf32, #tpu.memory_space<vmem>>[vector<16xi32>, vector<16xi32>], vector<16xf32>,
        %scatter3A_429 = arith.constant 0 : i32
        %scatter3A_430 = arith.constant 0 : i32
        %scatter3A_431 = tpu.memref_slice %arg9[%and3A_153, %scatter3A_429, %scatter3A_430] : memref<2x64x513xf32, #tpu.memory_space<vmem>> -> memref<1x64x513xf32, #tpu.memory_space<vmem>>
        %scatter3A_432 = tpu.memref_squeeze %scatter3A_431 : memref<1x64x513xf32, #tpu.memory_space<vmem>> -> memref<64x513xf32, #tpu.memory_space<vmem>>
        tpu.vector_store_idx %scatter3A_432[%add3A_29, %broadcast_in_dim3A_349], %add3A_363 : memref<64x513xf32, #tpu.memory_space<vmem>>[vector<16xi32>, vector<16xi32>], vector<16xf32>,
        %scatter3A_433 = arith.constant 0 : i32
        %scatter3A_434 = arith.constant 0 : i32
        %scatter3A_435 = tpu.memref_slice %arg9[%and3A_153, %scatter3A_433, %scatter3A_434] : memref<2x64x513xf32, #tpu.memory_space<vmem>> -> memref<1x64x513xf32, #tpu.memory_space<vmem>>
        %scatter3A_436 = tpu.memref_squeeze %scatter3A_435 : memref<1x64x513xf32, #tpu.memory_space<vmem>> -> memref<64x513xf32, #tpu.memory_space<vmem>>
        tpu.vector_store_idx %scatter3A_436[%add3A_32, %broadcast_in_dim3A_349], %add3A_370 : memref<64x513xf32, #tpu.memory_space<vmem>>[vector<16xi32>, vector<16xi32>], vector<16xf32>,
        %scatter3A_437 = arith.constant 0 : i32
        %scatter3A_438 = arith.constant 0 : i32
        %scatter3A_439 = tpu.memref_slice %arg9[%and3A_153, %scatter3A_437, %scatter3A_438] : memref<2x64x513xf32, #tpu.memory_space<vmem>> -> memref<1x64x513xf32, #tpu.memory_space<vmem>>
        %scatter3A_440 = tpu.memref_squeeze %scatter3A_439 : memref<1x64x513xf32, #tpu.memory_space<vmem>> -> memref<64x513xf32, #tpu.memory_space<vmem>>
        tpu.vector_store_idx %scatter3A_440[%add3A_35, %broadcast_in_dim3A_349], %add3A_377 : memref<64x513xf32, #tpu.memory_space<vmem>>[vector<16xi32>, vector<16xi32>], vector<16xf32>,
        %scan3A_441 = arith.constant 0 : i32
        scf.yield %scan3A_441 : i32
      }
      %scan3A_238 = arith.constant 64 : i32
      %and3A_239 = arith.constant 1 : i32
      %and3A_240 = arith.andi %while3A_95, %and3A_239 : i32
      %eq3A_241 = arith.constant 1 : i32
      %eq3A_242 = arith.cmpi eq, %and3A_240, %eq3A_241 : i32
      %convert_element_type3A_243 = arith.extui %eq3A_242 : i1 to i32
      %cond3A_244 = arith.constant 0 : i32
      %cond3A_245 = arith.cmpi ne, %convert_element_type3A_243, %cond3A_244 : i32
      scf.if %cond3A_245 {
        %sub3A_247 = arith.constant 1 : i32
        %sub3A_248 = arith.subi %select_n3A_134, %sub3A_247 : i32
        %mul3A_249 = arith.constant 256 : i32
        %mul3A_250 = arith.muli %sub3A_248, %mul3A_249 : i32
        %dma_start3A = arith.constant 0 : i32
        %dma_start3A_251 = arith.constant 0 : i32
        %dma_start3A_252 = tpu.memref_slice %arg9[%and3A_153, %dma_start3A, %dma_start3A_251] : memref<2x64x513xf32, #tpu.memory_space<vmem>> -> memref<1x64x512xf32, #tpu.memory_space<vmem>>
        %dma_start3A_253 = tpu.memref_squeeze %dma_start3A_252 : memref<1x64x512xf32, #tpu.memory_space<vmem>> -> memref<64x512xf32, #tpu.memory_space<vmem>>
        %dma_start3A_254 = arith.constant 0 : i32
        %dma_start3A_255 = tpu.memref_slice %arg5[%add3A_156, %dma_start3A_254, %mul3A_250] : memref<200x64x4096xf32, #tpu.memory_space<hbm>> -> memref<1x64x512xf32, #tpu.memory_space<hbm>>
        %dma_start3A_256 = tpu.memref_squeeze %dma_start3A_255 : memref<1x64x512xf32, #tpu.memory_space<hbm>> -> memref<64x512xf32, #tpu.memory_space<hbm>>
        %dma_start3A_257 = tpu.memref_slice %arg11[%and3A_153] : memref<2x!tpu.dma_semaphore, #tpu.memory_space<semaphore_mem>> -> memref<1x!tpu.dma_semaphore, #tpu.memory_space<semaphore_mem>>
        %dma_start3A_258 = tpu.memref_squeeze %dma_start3A_257 : memref<1x!tpu.dma_semaphore, #tpu.memory_space<semaphore_mem>> -> memref<!tpu.dma_semaphore, #tpu.memory_space<semaphore_mem>>
        %dma_start3A_259 = arith.constant 0 : i32
        %dma_start3A_260 = tpu.memref_slice %arg5[%add3A_156, %dma_start3A_259, %mul3A_250] : memref<200x64x4096xf32, #tpu.memory_space<hbm>> -> memref<1x64x512xf32, #tpu.memory_space<hbm>>
        %dma_start3A_261 = tpu.memref_squeeze %dma_start3A_260 : memref<1x64x512xf32, #tpu.memory_space<hbm>> -> memref<64x512xf32, #tpu.memory_space<hbm>>
        %dma_start3A_262 = arith.constant 0 : i32
        %dma_start3A_263 = arith.constant 0 : i32
        %dma_start3A_264 = tpu.memref_slice %arg9[%and3A_153, %dma_start3A_262, %dma_start3A_263] : memref<2x64x513xf32, #tpu.memory_space<vmem>> -> memref<1x64x512xf32, #tpu.memory_space<vmem>>
        %dma_start3A_265 = tpu.memref_squeeze %dma_start3A_264 : memref<1x64x512xf32, #tpu.memory_space<vmem>> -> memref<64x512xf32, #tpu.memory_space<vmem>>
        tpu.enqueue_dma source(%dma_start3A_265 : memref<64x512xf32, #tpu.memory_space<vmem>>) target(%dma_start3A_261 : memref<64x512xf32, #tpu.memory_space<hbm>>) target_semaphore(%dma_start3A_258 : memref<!tpu.dma_semaphore, #tpu.memory_space<semaphore_mem>>)
      } else {
      }
      %while3A_246 = arith.constant 0 : i32
      scf.yield %while3A_246 : i32
    }
    %while3A_52 = arith.constant 1 : i32
    %while3A_53 = scf.for %while3A_95 = %while3A_49 to %while3A_45 step %while3A_52 iter_args(%while3A_96 = %while3A_51) -> (i32)  : i32 {
      %jit3A_97 = arith.constant 16 : i32
      %div3A_98 = arith.divsi %while3A_95, %jit3A_97 : i32
      %sign3A_99 = arith.constant 0 : i32
      %sign3A_100 = arith.cmpi sgt, %while3A_95, %sign3A_99 : i32
      %sign3A_101 = arith.extui %sign3A_100 : i1 to i32
      %sign3A_102 = arith.constant 0 : i32
      %sign3A_103 = arith.cmpi slt, %while3A_95, %sign3A_102 : i32
      %sign3A_104 = arith.extui %sign3A_103 : i1 to i32
      %sign3A_105 = arith.subi %sign3A_101, %sign3A_104 : i32
      %sign3A_106 = arith.constant 0 : i32
      %sign3A_107 = arith.cmpi sgt, %jit3A_97, %sign3A_106 : i32
      %sign3A_108 = arith.extui %sign3A_107 : i1 to i32
      %sign3A_109 = arith.constant 0 : i32
      %sign3A_110 = arith.cmpi slt, %jit3A_97, %sign3A_109 : i32
      %sign3A_111 = arith.extui %sign3A_110 : i1 to i32
      %sign3A_112 = arith.subi %sign3A_108, %sign3A_111 : i32
      %ne3A_113 = arith.cmpi ne, %sign3A_105, %sign3A_112 : i32
      %rem3A_114 = arith.remsi %while3A_95, %jit3A_97 : i32
      %ne3A_115 = arith.constant 0 : i32
      %ne3A_116 = arith.cmpi ne, %rem3A_114, %ne3A_115 : i32
      %and3A_117 = arith.andi %ne3A_113, %ne3A_116 : i1
      %sub3A_118 = arith.constant 1 : i32
      %sub3A_119 = arith.subi %div3A_98, %sub3A_118 : i32
      %select_n3A_120 = arith.select %and3A_117, %sub3A_119, %div3A_98 : i32
      %jit3A_121 = arith.constant 16 : i32
      %eq3A = arith.constant 0 : i32
      %eq3A_122 = arith.cmpi eq, %jit3A_121, %eq3A : i32
      %jit3A_123 = arith.constant 1 : i32
      %select_n3A_124 = arith.select %eq3A_122, %jit3A_123, %jit3A_121 : i32
      %rem3A_125 = arith.remsi %while3A_95, %select_n3A_124 : i32
      %ne3A_126 = arith.constant 0 : i32
      %ne3A_127 = arith.cmpi ne, %rem3A_125, %ne3A_126 : i32
      %lt3A = arith.constant 0 : i32
      %lt3A_128 = arith.cmpi slt, %rem3A_125, %lt3A : i32
      %lt3A_129 = arith.constant 0 : i32
      %lt3A_130 = arith.cmpi slt, %select_n3A_124, %lt3A_129 : i32
      %ne3A_131 = arith.xori %lt3A_128, %lt3A_130 : i1
      %and3A_132 = arith.andi %ne3A_131, %ne3A_127 : i1
      %add3A_133 = arith.addi %rem3A_125, %select_n3A_124 : i32
      %select_n3A_134 = arith.select %and3A_132, %add3A_133, %rem3A_125 : i32
      %jit3A_135 = arith.constant 3 : i32
      %eq3A_136 = arith.constant 0 : i32
      %eq3A_137 = arith.cmpi eq, %jit3A_135, %eq3A_136 : i32
      %jit3A_138 = arith.constant 1 : i32
      %select_n3A_139 = arith.select %eq3A_137, %jit3A_138, %jit3A_135 : i32
      %rem3A_140 = arith.remsi %while3A_95, %select_n3A_139 : i32
      %ne3A_141 = arith.constant 0 : i32
      %ne3A_142 = arith.cmpi ne, %rem3A_140, %ne3A_141 : i32
      %lt3A_143 = arith.constant 0 : i32
      %lt3A_144 = arith.cmpi slt, %rem3A_140, %lt3A_143 : i32
      %lt3A_145 = arith.constant 0 : i32
      %lt3A_146 = arith.cmpi slt, %select_n3A_139, %lt3A_145 : i32
      %ne3A_147 = arith.xori %lt3A_144, %lt3A_146 : i1
      %and3A_148 = arith.andi %ne3A_147, %ne3A_142 : i1
      %add3A_149 = arith.addi %rem3A_140, %select_n3A_139 : i32
      %select_n3A_150 = arith.select %and3A_148, %add3A_149, %rem3A_140 : i32
      %shift_right_arithmetic3A = arith.constant 1 : i32
      %shift_right_arithmetic3A_151 = arith.shrsi %while3A_95, %shift_right_arithmetic3A : i32
      %and3A_152 = arith.constant 1 : i32
      %and3A_153 = arith.andi %shift_right_arithmetic3A_151, %and3A_152 : i32
      %mul3A_154 = arith.constant 32 : i32
      %mul3A_155 = arith.muli %select_n3A_120, %mul3A_154 : i32
      %add3A_156 = arith.addi %add3A, %mul3A_155 : i32
      %eq3A_157 = arith.constant 8 : i32
      %eq3A_158 = arith.cmpi eq, %select_n3A_134, %eq3A_157 : i32
      %add3A_159 = arith.constant 1 : i32
      %add3A_160 = arith.addi %select_n3A_120, %add3A_159 : i32
      %lt3A_161 = arith.cmpi slt, %add3A_160, %add3A_20 : i32
      %and3A_162 = arith.andi %eq3A_158, %lt3A_161 : i1
      %convert_element_type3A_163 = arith.extui %and3A_162 : i1 to i32
      %cond3A_164 = arith.constant 0 : i32
      %cond3A_165 = arith.cmpi ne, %convert_element_type3A_163, %cond3A_164 : i32
      scf.if %cond3A_165 {
        %add3A_247 = arith.constant 1 : i32
        %add3A_248 = arith.addi %select_n3A_120, %add3A_247 : i32
        %and3A_249 = arith.constant 1 : i32
        %and3A_250 = arith.andi %add3A_248, %and3A_249 : i32
        %add3A_251 = arith.constant 1 : i32
        %add3A_252 = arith.addi %select_n3A_120, %add3A_251 : i32
        %mul3A_253 = arith.constant 32 : i32
        %mul3A_254 = arith.muli %add3A_252, %mul3A_253 : i32
        %add3A_255 = arith.addi %add3A, %mul3A_254 : i32
        %dma_start3A = arith.constant 0 : i32
        %dma_start3A_256 = tpu.memref_slice %arg6[%and3A_250, %dma_start3A] : memref<2x4096xi32, #tpu.memory_space<vmem>> -> memref<1x4096xi32, #tpu.memory_space<vmem>>
        %dma_start3A_257 = tpu.memref_squeeze %dma_start3A_256 : memref<1x4096xi32, #tpu.memory_space<vmem>> -> memref<4096xi32, #tpu.memory_space<vmem>>
        %dma_start3A_258 = arith.constant 0 : i32
        %dma_start3A_259 = tpu.memref_slice %arg2[%add3A_255, %dma_start3A_258] : memref<200x4096xi32, #tpu.memory_space<hbm>> -> memref<1x4096xi32, #tpu.memory_space<hbm>>
        %dma_start3A_260 = tpu.memref_squeeze %dma_start3A_259 : memref<1x4096xi32, #tpu.memory_space<hbm>> -> memref<4096xi32, #tpu.memory_space<hbm>>
        %dma_start3A_261 = arith.constant 0 : i32
        %dma_start3A_262 = tpu.memref_slice %arg6[%and3A_250, %dma_start3A_261] : memref<2x4096xi32, #tpu.memory_space<vmem>> -> memref<1x4096xi32, #tpu.memory_space<vmem>>
        %dma_start3A_263 = tpu.memref_squeeze %dma_start3A_262 : memref<1x4096xi32, #tpu.memory_space<vmem>> -> memref<4096xi32, #tpu.memory_space<vmem>>
        %dma_start3A_264 = arith.constant 0 : i32
        %dma_start3A_265 = tpu.memref_slice %arg2[%add3A_255, %dma_start3A_264] : memref<200x4096xi32, #tpu.memory_space<hbm>> -> memref<1x4096xi32, #tpu.memory_space<hbm>>
        %dma_start3A_266 = tpu.memref_squeeze %dma_start3A_265 : memref<1x4096xi32, #tpu.memory_space<hbm>> -> memref<4096xi32, #tpu.memory_space<hbm>>
        tpu.enqueue_dma source(%dma_start3A_266 : memref<4096xi32, #tpu.memory_space<hbm>>) target(%dma_start3A_263 : memref<4096xi32, #tpu.memory_space<vmem>>) target_semaphore(%arg12 : memref<!tpu.dma_semaphore, #tpu.memory_space<semaphore_mem>>)
        %add3A_267 = arith.constant 1 : i32
        %add3A_268 = arith.addi %select_n3A_120, %add3A_267 : i32
        %mul3A_269 = arith.constant 32 : i32
        %mul3A_270 = arith.muli %add3A_268, %mul3A_269 : i32
        %add3A_271 = arith.addi %add3A, %mul3A_270 : i32
        %dma_start3A_272 = arith.constant 0 : i32
        %dma_start3A_273 = tpu.memref_slice %arg7[%and3A_250, %dma_start3A_272] : memref<2x64xf32, #tpu.memory_space<vmem>> -> memref<1x64xf32, #tpu.memory_space<vmem>>
        %dma_start3A_274 = tpu.memref_squeeze %dma_start3A_273 : memref<1x64xf32, #tpu.memory_space<vmem>> -> memref<64xf32, #tpu.memory_space<vmem>>
        %dma_start3A_275 = arith.constant 0 : i32
        %dma_start3A_276 = tpu.memref_slice %arg4[%add3A_271, %dma_start3A_275] : memref<200x64xf32, #tpu.memory_space<hbm>> -> memref<1x64xf32, #tpu.memory_space<hbm>>
        %dma_start3A_277 = tpu.memref_squeeze %dma_start3A_276 : memref<1x64xf32, #tpu.memory_space<hbm>> -> memref<64xf32, #tpu.memory_space<hbm>>
        %dma_start3A_278 = arith.constant 0 : i32
        %dma_start3A_279 = tpu.memref_slice %arg7[%and3A_250, %dma_start3A_278] : memref<2x64xf32, #tpu.memory_space<vmem>> -> memref<1x64xf32, #tpu.memory_space<vmem>>
        %dma_start3A_280 = tpu.memref_squeeze %dma_start3A_279 : memref<1x64xf32, #tpu.memory_space<vmem>> -> memref<64xf32, #tpu.memory_space<vmem>>
        %dma_start3A_281 = arith.constant 0 : i32
        %dma_start3A_282 = tpu.memref_slice %arg4[%add3A_271, %dma_start3A_281] : memref<200x64xf32, #tpu.memory_space<hbm>> -> memref<1x64xf32, #tpu.memory_space<hbm>>
        %dma_start3A_283 = tpu.memref_squeeze %dma_start3A_282 : memref<1x64xf32, #tpu.memory_space<hbm>> -> memref<64xf32, #tpu.memory_space<hbm>>
        tpu.enqueue_dma source(%dma_start3A_283 : memref<64xf32, #tpu.memory_space<hbm>>) target(%dma_start3A_280 : memref<64xf32, #tpu.memory_space<vmem>>) target_semaphore(%arg12 : memref<!tpu.dma_semaphore, #tpu.memory_space<semaphore_mem>>)
      } else {
      }
      %eq3A_166 = arith.constant 14 : i32
      %eq3A_167 = arith.cmpi eq, %select_n3A_134, %eq3A_166 : i32
      %add3A_168 = arith.constant 1 : i32
      %add3A_169 = arith.addi %select_n3A_120, %add3A_168 : i32
      %lt3A_170 = arith.cmpi slt, %add3A_169, %add3A_20 : i32
      %and3A_171 = arith.andi %eq3A_167, %lt3A_170 : i1
      %convert_element_type3A_172 = arith.extui %and3A_171 : i1 to i32
      %cond3A_173 = arith.constant 0 : i32
      %cond3A_174 = arith.cmpi ne, %convert_element_type3A_172, %cond3A_173 : i32
      scf.if %cond3A_174 {
        %dma_wait3A_247 = arith.constant 0 : i32
        %dma_wait3A_248 = arith.constant 0 : i32
        %dma_wait3A_249 = arith.constant 0 : i32
        %dma_wait3A_250 = tpu.memref_slice %arg6[%dma_wait3A_248, %dma_wait3A_249] : memref<2x4096xi32, #tpu.memory_space<vmem>> -> memref<1x4096xi32, #tpu.memory_space<vmem>>
        %dma_wait3A_251 = tpu.memref_squeeze %dma_wait3A_250 : memref<1x4096xi32, #tpu.memory_space<vmem>> -> memref<4096xi32, #tpu.memory_space<vmem>>
        %dma_wait3A_252 = arith.constant 0 : i32
        %dma_wait3A_253 = tpu.memref_slice %arg2[%dma_wait3A_247, %dma_wait3A_252] : memref<200x4096xi32, #tpu.memory_space<hbm>> -> memref<1x4096xi32, #tpu.memory_space<hbm>>
        %dma_wait3A_254 = tpu.memref_squeeze %dma_wait3A_253 : memref<1x4096xi32, #tpu.memory_space<hbm>> -> memref<4096xi32, #tpu.memory_space<hbm>>
        %dma_wait3A_255 = arith.constant 0 : i32
        %dma_wait3A_256 = tpu.memref_slice %arg6[%dma_wait3A_248, %dma_wait3A_255] : memref<2x4096xi32, #tpu.memory_space<vmem>> -> memref<1x4096xi32, #tpu.memory_space<vmem>>
        %dma_wait3A_257 = tpu.memref_squeeze %dma_wait3A_256 : memref<1x4096xi32, #tpu.memory_space<vmem>> -> memref<4096xi32, #tpu.memory_space<vmem>>
        %dma_wait3A_258 = arith.constant 0 : i32
        %dma_wait3A_259 = tpu.memref_slice %arg2[%dma_wait3A_247, %dma_wait3A_258] : memref<200x4096xi32, #tpu.memory_space<hbm>> -> memref<1x4096xi32, #tpu.memory_space<hbm>>
        %dma_wait3A_260 = tpu.memref_squeeze %dma_wait3A_259 : memref<1x4096xi32, #tpu.memory_space<hbm>> -> memref<4096xi32, #tpu.memory_space<hbm>>
        tpu.wait_dma2 semaphore(%arg12 : memref<!tpu.dma_semaphore, #tpu.memory_space<semaphore_mem>>) src(%dma_wait3A_260 : memref<4096xi32, #tpu.memory_space<hbm>>) dst(%dma_wait3A_257 : memref<4096xi32, #tpu.memory_space<vmem>>)
        %dma_wait3A_261 = arith.constant 0 : i32
        %dma_wait3A_262 = arith.constant 0 : i32
        %dma_wait3A_263 = arith.constant 0 : i32
        %dma_wait3A_264 = tpu.memref_slice %arg7[%dma_wait3A_262, %dma_wait3A_263] : memref<2x64xf32, #tpu.memory_space<vmem>> -> memref<1x64xf32, #tpu.memory_space<vmem>>
        %dma_wait3A_265 = tpu.memref_squeeze %dma_wait3A_264 : memref<1x64xf32, #tpu.memory_space<vmem>> -> memref<64xf32, #tpu.memory_space<vmem>>
        %dma_wait3A_266 = arith.constant 0 : i32
        %dma_wait3A_267 = tpu.memref_slice %arg4[%dma_wait3A_261, %dma_wait3A_266] : memref<200x64xf32, #tpu.memory_space<hbm>> -> memref<1x64xf32, #tpu.memory_space<hbm>>
        %dma_wait3A_268 = tpu.memref_squeeze %dma_wait3A_267 : memref<1x64xf32, #tpu.memory_space<hbm>> -> memref<64xf32, #tpu.memory_space<hbm>>
        %dma_wait3A_269 = arith.constant 0 : i32
        %dma_wait3A_270 = tpu.memref_slice %arg7[%dma_wait3A_262, %dma_wait3A_269] : memref<2x64xf32, #tpu.memory_space<vmem>> -> memref<1x64xf32, #tpu.memory_space<vmem>>
        %dma_wait3A_271 = tpu.memref_squeeze %dma_wait3A_270 : memref<1x64xf32, #tpu.memory_space<vmem>> -> memref<64xf32, #tpu.memory_space<vmem>>
        %dma_wait3A_272 = arith.constant 0 : i32
        %dma_wait3A_273 = tpu.memref_slice %arg4[%dma_wait3A_261, %dma_wait3A_272] : memref<200x64xf32, #tpu.memory_space<hbm>> -> memref<1x64xf32, #tpu.memory_space<hbm>>
        %dma_wait3A_274 = tpu.memref_squeeze %dma_wait3A_273 : memref<1x64xf32, #tpu.memory_space<hbm>> -> memref<64xf32, #tpu.memory_space<hbm>>
        tpu.wait_dma2 semaphore(%arg12 : memref<!tpu.dma_semaphore, #tpu.memory_space<semaphore_mem>>) src(%dma_wait3A_274 : memref<64xf32, #tpu.memory_space<hbm>>) dst(%dma_wait3A_271 : memref<64xf32, #tpu.memory_space<vmem>>)
      } else {
      }
      %add3A_175 = arith.constant 3 : i32
      %add3A_176 = arith.addi %while3A_95, %add3A_175 : i32
      %sub3A_177 = arith.constant 1 : i32
      %sub3A_178 = arith.subi %add3A_176, %sub3A_177 : i32
      %lt3A_179 = arith.cmpi slt, %sub3A_178, %mul3A_22 : i32
      %convert_element_type3A_180 = arith.extui %lt3A_179 : i1 to i32
      %cond3A_181 = arith.constant 0 : i32
      %cond3A_182 = arith.cmpi ne, %convert_element_type3A_180, %cond3A_181 : i32
      scf.if %cond3A_182 {
        %add3A_247 = arith.constant 3 : i32
        %add3A_248 = arith.addi %while3A_95, %add3A_247 : i32
        %sub3A_249 = arith.constant 1 : i32
        %sub3A_250 = arith.subi %add3A_248, %sub3A_249 : i32
        %jit3A_251 = arith.constant 16 : i32
        %div3A_252 = arith.divsi %sub3A_250, %jit3A_251 : i32
        %sign3A_253 = arith.constant 0 : i32
        %sign3A_254 = arith.cmpi sgt, %sub3A_250, %sign3A_253 : i32
        %sign3A_255 = arith.extui %sign3A_254 : i1 to i32
        %sign3A_256 = arith.constant 0 : i32
        %sign3A_257 = arith.cmpi slt, %sub3A_250, %sign3A_256 : i32
        %sign3A_258 = arith.extui %sign3A_257 : i1 to i32
        %sign3A_259 = arith.subi %sign3A_255, %sign3A_258 : i32
        %sign3A_260 = arith.constant 0 : i32
        %sign3A_261 = arith.cmpi sgt, %jit3A_251, %sign3A_260 : i32
        %sign3A_262 = arith.extui %sign3A_261 : i1 to i32
        %sign3A_263 = arith.constant 0 : i32
        %sign3A_264 = arith.cmpi slt, %jit3A_251, %sign3A_263 : i32
        %sign3A_265 = arith.extui %sign3A_264 : i1 to i32
        %sign3A_266 = arith.subi %sign3A_262, %sign3A_265 : i32
        %ne3A_267 = arith.cmpi ne, %sign3A_259, %sign3A_266 : i32
        %rem3A_268 = arith.remsi %sub3A_250, %jit3A_251 : i32
        %ne3A_269 = arith.constant 0 : i32
        %ne3A_270 = arith.cmpi ne, %rem3A_268, %ne3A_269 : i32
        %and3A_271 = arith.andi %ne3A_267, %ne3A_270 : i1
        %sub3A_272 = arith.constant 1 : i32
        %sub3A_273 = arith.subi %div3A_252, %sub3A_272 : i32
        %select_n3A_274 = arith.select %and3A_271, %sub3A_273, %div3A_252 : i32
        %jit3A_275 = arith.constant 16 : i32
        %eq3A_276 = arith.constant 0 : i32
        %eq3A_277 = arith.cmpi eq, %jit3A_275, %eq3A_276 : i32
        %jit3A_278 = arith.constant 1 : i32
        %select_n3A_279 = arith.select %eq3A_277, %jit3A_278, %jit3A_275 : i32
        %rem3A_280 = arith.remsi %sub3A_250, %select_n3A_279 : i32
        %ne3A_281 = arith.constant 0 : i32
        %ne3A_282 = arith.cmpi ne, %rem3A_280, %ne3A_281 : i32
        %lt3A_283 = arith.constant 0 : i32
        %lt3A_284 = arith.cmpi slt, %rem3A_280, %lt3A_283 : i32
        %lt3A_285 = arith.constant 0 : i32
        %lt3A_286 = arith.cmpi slt, %select_n3A_279, %lt3A_285 : i32
        %ne3A_287 = arith.xori %lt3A_284, %lt3A_286 : i1
        %and3A_288 = arith.andi %ne3A_287, %ne3A_282 : i1
        %add3A_289 = arith.addi %rem3A_280, %select_n3A_279 : i32
        %select_n3A_290 = arith.select %and3A_288, %add3A_289, %rem3A_280 : i32
        %jit3A_291 = arith.constant 3 : i32
        %eq3A_292 = arith.constant 0 : i32
        %eq3A_293 = arith.cmpi eq, %jit3A_291, %eq3A_292 : i32
        %jit3A_294 = arith.constant 1 : i32
        %select_n3A_295 = arith.select %eq3A_293, %jit3A_294, %jit3A_291 : i32
        %rem3A_296 = arith.remsi %sub3A_250, %select_n3A_295 : i32
        %ne3A_297 = arith.constant 0 : i32
        %ne3A_298 = arith.cmpi ne, %rem3A_296, %ne3A_297 : i32
        %lt3A_299 = arith.constant 0 : i32
        %lt3A_300 = arith.cmpi slt, %rem3A_296, %lt3A_299 : i32
        %lt3A_301 = arith.constant 0 : i32
        %lt3A_302 = arith.cmpi slt, %select_n3A_295, %lt3A_301 : i32
        %ne3A_303 = arith.xori %lt3A_300, %lt3A_302 : i1
        %and3A_304 = arith.andi %ne3A_303, %ne3A_298 : i1
        %add3A_305 = arith.addi %rem3A_296, %select_n3A_295 : i32
        %select_n3A_306 = arith.select %and3A_304, %add3A_305, %rem3A_296 : i32
        %and3A_307 = arith.constant 1 : i32
        %and3A_308 = arith.andi %select_n3A_274, %and3A_307 : i32
        %mul3A_309 = arith.constant 256 : i32
        %mul3A_310 = arith.muli %select_n3A_290, %mul3A_309 : i32
        %dma_start3A = arith.constant 0 : i32
        %dma_start3A_311 = arith.constant 0 : i32
        %dma_start3A_312 = tpu.memref_slice %arg8[%select_n3A_306, %dma_start3A, %dma_start3A_311] : memref<3x256x64xf32, #tpu.memory_space<vmem>> -> memref<1x256x64xf32, #tpu.memory_space<vmem>>
        %dma_start3A_313 = tpu.memref_squeeze %dma_start3A_312 : memref<1x256x64xf32, #tpu.memory_space<vmem>> -> memref<256x64xf32, #tpu.memory_space<vmem>>
        %dma_start3A_314 = tpu.memref_slice %arg6[%and3A_308, %mul3A_310] : memref<2x4096xi32, #tpu.memory_space<vmem>> -> memref<1x256xi32, #tpu.memory_space<vmem>>
        %dma_start3A_315 = tpu.memref_squeeze %dma_start3A_314 : memref<1x256xi32, #tpu.memory_space<vmem>> -> memref<256xi32, #tpu.memory_space<vmem>>
        %dma_start3A_316 = arith.constant 0 : i32
        %dma_start3A_317 = arith.constant 0 : i32
        %dma_start3A_318 = tpu.memref_slice %arg3[%dma_start3A_316, %dma_start3A_317] : memref<1000000x64xf32, #tpu.memory_space<hbm>> -> memref<1000000x64xf32, #tpu.memory_space<hbm>>
        %dma_start3A_319 = tpu.memref_slice %arg10[%select_n3A_306] : memref<3x!tpu.dma_semaphore, #tpu.memory_space<semaphore_mem>> -> memref<1x!tpu.dma_semaphore, #tpu.memory_space<semaphore_mem>>
        %dma_start3A_320 = tpu.memref_squeeze %dma_start3A_319 : memref<1x!tpu.dma_semaphore, #tpu.memory_space<semaphore_mem>> -> memref<!tpu.dma_semaphore, #tpu.memory_space<semaphore_mem>>
        tpu.enqueue_indirect_dma source(%dma_start3A_318 : memref<1000000x64xf32, #tpu.memory_space<hbm>>) target(%dma_start3A_313 : memref<256x64xf32, #tpu.memory_space<vmem>>) offsets(%dma_start3A_315 : memref<256xi32, #tpu.memory_space<vmem>>) semaphore(%dma_start3A_320 : memref<!tpu.dma_semaphore, #tpu.memory_space<semaphore_mem>>)
      } else {
      }
      %dma_wait3A_183 = arith.constant 0 : i32
      %dma_wait3A_184 = arith.constant 0 : i32
      %dma_wait3A_185 = tpu.memref_slice %arg8[%select_n3A_150, %dma_wait3A_183, %dma_wait3A_184] : memref<3x256x64xf32, #tpu.memory_space<vmem>> -> memref<1x256x64xf32, #tpu.memory_space<vmem>>
      %dma_wait3A_186 = tpu.memref_squeeze %dma_wait3A_185 : memref<1x256x64xf32, #tpu.memory_space<vmem>> -> memref<256x64xf32, #tpu.memory_space<vmem>>
      %dma_wait3A_187 = arith.constant 0 : i32
      %dma_wait3A_188 = arith.constant 0 : i32
      %dma_wait3A_189 = tpu.memref_slice %arg3[%dma_wait3A_187, %dma_wait3A_188] : memref<1000000x64xf32, #tpu.memory_space<hbm>> -> memref<256x64xf32, #tpu.memory_space<hbm>>
      %dma_wait3A_190 = tpu.memref_slice %arg10[%select_n3A_150] : memref<3x!tpu.dma_semaphore, #tpu.memory_space<semaphore_mem>> -> memref<1x!tpu.dma_semaphore, #tpu.memory_space<semaphore_mem>>
      %dma_wait3A_191 = tpu.memref_squeeze %dma_wait3A_190 : memref<1x!tpu.dma_semaphore, #tpu.memory_space<semaphore_mem>> -> memref<!tpu.dma_semaphore, #tpu.memory_space<semaphore_mem>>
      %dma_wait3A_192 = arith.constant 0 : i32
      %dma_wait3A_193 = arith.constant 0 : i32
      %dma_wait3A_194 = tpu.memref_slice %arg8[%select_n3A_150, %dma_wait3A_192, %dma_wait3A_193] : memref<3x256x64xf32, #tpu.memory_space<vmem>> -> memref<1x256x64xf32, #tpu.memory_space<vmem>>
      %dma_wait3A_195 = tpu.memref_squeeze %dma_wait3A_194 : memref<1x256x64xf32, #tpu.memory_space<vmem>> -> memref<256x64xf32, #tpu.memory_space<vmem>>
      %dma_wait3A_196 = arith.constant 0 : i32
      %dma_wait3A_197 = arith.constant 0 : i32
      %dma_wait3A_198 = tpu.memref_slice %arg3[%dma_wait3A_196, %dma_wait3A_197] : memref<1000000x64xf32, #tpu.memory_space<hbm>> -> memref<256x64xf32, #tpu.memory_space<hbm>>
      tpu.wait_dma2 semaphore(%dma_wait3A_191 : memref<!tpu.dma_semaphore, #tpu.memory_space<semaphore_mem>>) src(%dma_wait3A_198 : memref<256x64xf32, #tpu.memory_space<hbm>>) dst(%dma_wait3A_195 : memref<256x64xf32, #tpu.memory_space<vmem>>)
      %and3A_199 = arith.constant 1 : i32
      %and3A_200 = arith.andi %while3A_95, %and3A_199 : i32
      %eq3A_201 = arith.constant 0 : i32
      %eq3A_202 = arith.cmpi eq, %and3A_200, %eq3A_201 : i32
      %shift_right_arithmetic3A_203 = arith.constant 1 : i32
      %shift_right_arithmetic3A_204 = arith.shrsi %while3A_95, %shift_right_arithmetic3A_203 : i32
      %ge3A = arith.constant 2 : i32
      %ge3A_205 = arith.cmpi sge, %shift_right_arithmetic3A_204, %ge3A : i32
      %and3A_206 = arith.andi %eq3A_202, %ge3A_205 : i1
      %convert_element_type3A_207 = arith.extui %and3A_206 : i1 to i32
      %cond3A_208 = arith.constant 0 : i32
      %cond3A_209 = arith.cmpi ne, %convert_element_type3A_207, %cond3A_208 : i32
      scf.if %cond3A_209 {
        %dma_wait3A_247 = arith.constant 0 : i32
        %dma_wait3A_248 = arith.constant 0 : i32
        %dma_wait3A_249 = arith.constant 0 : i32
        %dma_wait3A_250 = tpu.memref_slice %arg9[%and3A_153, %dma_wait3A_248, %dma_wait3A_249] : memref<2x64x513xf32, #tpu.memory_space<vmem>> -> memref<1x64x512xf32, #tpu.memory_space<vmem>>
        %dma_wait3A_251 = tpu.memref_squeeze %dma_wait3A_250 : memref<1x64x512xf32, #tpu.memory_space<vmem>> -> memref<64x512xf32, #tpu.memory_space<vmem>>
        %dma_wait3A_252 = arith.constant 0 : i32
        %dma_wait3A_253 = arith.constant 0 : i32
        %dma_wait3A_254 = tpu.memref_slice %arg5[%dma_wait3A_247, %dma_wait3A_252, %dma_wait3A_253] : memref<200x64x4096xf32, #tpu.memory_space<hbm>> -> memref<1x64x512xf32, #tpu.memory_space<hbm>>
        %dma_wait3A_255 = tpu.memref_squeeze %dma_wait3A_254 : memref<1x64x512xf32, #tpu.memory_space<hbm>> -> memref<64x512xf32, #tpu.memory_space<hbm>>
        %dma_wait3A_256 = tpu.memref_slice %arg11[%and3A_153] : memref<2x!tpu.dma_semaphore, #tpu.memory_space<semaphore_mem>> -> memref<1x!tpu.dma_semaphore, #tpu.memory_space<semaphore_mem>>
        %dma_wait3A_257 = tpu.memref_squeeze %dma_wait3A_256 : memref<1x!tpu.dma_semaphore, #tpu.memory_space<semaphore_mem>> -> memref<!tpu.dma_semaphore, #tpu.memory_space<semaphore_mem>>
        %dma_wait3A_258 = arith.constant 0 : i32
        %dma_wait3A_259 = arith.constant 0 : i32
        %dma_wait3A_260 = tpu.memref_slice %arg9[%and3A_153, %dma_wait3A_258, %dma_wait3A_259] : memref<2x64x513xf32, #tpu.memory_space<vmem>> -> memref<1x64x512xf32, #tpu.memory_space<vmem>>
        %dma_wait3A_261 = tpu.memref_squeeze %dma_wait3A_260 : memref<1x64x512xf32, #tpu.memory_space<vmem>> -> memref<64x512xf32, #tpu.memory_space<vmem>>
        %dma_wait3A_262 = arith.constant 0 : i32
        %dma_wait3A_263 = arith.constant 0 : i32
        %dma_wait3A_264 = tpu.memref_slice %arg5[%dma_wait3A_247, %dma_wait3A_262, %dma_wait3A_263] : memref<200x64x4096xf32, #tpu.memory_space<hbm>> -> memref<1x64x512xf32, #tpu.memory_space<hbm>>
        %dma_wait3A_265 = tpu.memref_squeeze %dma_wait3A_264 : memref<1x64x512xf32, #tpu.memory_space<hbm>> -> memref<64x512xf32, #tpu.memory_space<hbm>>
        tpu.wait_dma2 semaphore(%dma_wait3A_257 : memref<!tpu.dma_semaphore, #tpu.memory_space<semaphore_mem>>) src(%dma_wait3A_265 : memref<64x512xf32, #tpu.memory_space<hbm>>) dst(%dma_wait3A_261 : memref<64x512xf32, #tpu.memory_space<vmem>>)
      } else {
      }
      %and3A_210 = arith.constant 1 : i32
      %and3A_211 = arith.andi %select_n3A_120, %and3A_210 : i32
      %get3A = arith.index_cast %and3A_211 : i32 to index
      %get3A_212 = arith.constant 0 : index
      %get3A_213 = tpu.vector_load %arg7[%get3A, %get3A_212] {strides = array<i32>} : memref<2x64xf32, #tpu.memory_space<vmem>>, vector<16xf32>,
      %and3A_214 = arith.constant 1 : i32
      %and3A_215 = arith.andi %select_n3A_120, %and3A_214 : i32
      %get3A_216 = arith.index_cast %and3A_215 : i32 to index
      %get3A_217 = arith.constant 16 : index
      %get3A_218 = tpu.vector_load %arg7[%get3A_216, %get3A_217] {strides = array<i32>} : memref<2x64xf32, #tpu.memory_space<vmem>>, vector<16xf32>,
      %and3A_219 = arith.constant 1 : i32
      %and3A_220 = arith.andi %select_n3A_120, %and3A_219 : i32
      %get3A_221 = arith.index_cast %and3A_220 : i32 to index
      %get3A_222 = arith.constant 32 : index
      %get3A_223 = tpu.vector_load %arg7[%get3A_221, %get3A_222] {strides = array<i32>} : memref<2x64xf32, #tpu.memory_space<vmem>>, vector<16xf32>,
      %and3A_224 = arith.constant 1 : i32
      %and3A_225 = arith.andi %select_n3A_120, %and3A_224 : i32
      %get3A_226 = arith.index_cast %and3A_225 : i32 to index
      %get3A_227 = arith.constant 48 : index
      %get3A_228 = tpu.vector_load %arg7[%get3A_226, %get3A_227] {strides = array<i32>} : memref<2x64xf32, #tpu.memory_space<vmem>>, vector<16xf32>,
      %and3A_229 = arith.constant 1 : i32
      %and3A_230 = arith.andi %select_n3A_134, %and3A_229 : i32
      %mul3A_231 = arith.constant 256 : i32
      %mul3A_232 = arith.muli %and3A_230, %mul3A_231 : i32
      %scan3A = arith.constant 0 : i32
      %scan3A_233 = arith.constant 0 : i32
      %scan3A_234 = arith.constant 64 : i32
      %scan3A_235 = arith.addi %scan3A_233, %scan3A_234 : i32
      %scan3A_236 = arith.constant 1 : i32
      %scan3A_237 = scf.for %scan3A_247 = %scan3A_233 to %scan3A_235 step %scan3A_236 iter_args(%scan3A_248 = %scan3A) -> (i32)  : i32 {
        %mul3A_249 = arith.constant 4 : i32
        %mul3A_250 = arith.muli %scan3A_247, %mul3A_249 : i32
        %add3A_251 = arith.addi %mul3A_232, %mul3A_250 : i32
        %add3A_252 = arith.constant 0 : i32
        %add3A_253 = arith.addi %add3A_251, %add3A_252 : i32
        %broadcast_in_dim3A = vector.broadcast %add3A_253 : i32 to vector<16xi32>
        %add3A_254 = arith.constant 0 : i32
        %add3A_255 = arith.addi %mul3A_250, %add3A_254 : i32
        %get3A_256 = arith.index_cast %select_n3A_150 : i32 to index
        %get3A_257 = arith.index_cast %add3A_255 : i32 to index
        %get3A_258 = arith.constant 0 : index
        %get3A_259 = tpu.vector_load %arg8[%get3A_256, %get3A_257, %get3A_258] {strides = array<i32>} : memref<3x256x64xf32, #tpu.memory_space<vmem>>, vector<16xf32>,
        %add3A_260 = arith.addf %get3A_259, %get3A_213 : vector<16xf32>
        %add3A_261 = arith.constant 0 : i32
        %add3A_262 = arith.addi %mul3A_250, %add3A_261 : i32
        %get3A_263 = arith.index_cast %select_n3A_150 : i32 to index
        %get3A_264 = arith.index_cast %add3A_262 : i32 to index
        %get3A_265 = arith.constant 16 : index
        %get3A_266 = tpu.vector_load %arg8[%get3A_263, %get3A_264, %get3A_265] {strides = array<i32>} : memref<3x256x64xf32, #tpu.memory_space<vmem>>, vector<16xf32>,
        %add3A_267 = arith.addf %get3A_266, %get3A_218 : vector<16xf32>
        %add3A_268 = arith.constant 0 : i32
        %add3A_269 = arith.addi %mul3A_250, %add3A_268 : i32
        %get3A_270 = arith.index_cast %select_n3A_150 : i32 to index
        %get3A_271 = arith.index_cast %add3A_269 : i32 to index
        %get3A_272 = arith.constant 32 : index
        %get3A_273 = tpu.vector_load %arg8[%get3A_270, %get3A_271, %get3A_272] {strides = array<i32>} : memref<3x256x64xf32, #tpu.memory_space<vmem>>, vector<16xf32>,
        %add3A_274 = arith.addf %get3A_273, %get3A_223 : vector<16xf32>
        %add3A_275 = arith.constant 0 : i32
        %add3A_276 = arith.addi %mul3A_250, %add3A_275 : i32
        %get3A_277 = arith.index_cast %select_n3A_150 : i32 to index
        %get3A_278 = arith.index_cast %add3A_276 : i32 to index
        %get3A_279 = arith.constant 48 : index
        %get3A_280 = tpu.vector_load %arg8[%get3A_277, %get3A_278, %get3A_279] {strides = array<i32>} : memref<3x256x64xf32, #tpu.memory_space<vmem>>, vector<16xf32>,
        %add3A_281 = arith.addf %get3A_280, %get3A_228 : vector<16xf32>
        %add3A_282 = arith.addi %mul3A_232, %mul3A_250 : i32
        %add3A_283 = arith.constant 1 : i32
        %add3A_284 = arith.addi %add3A_282, %add3A_283 : i32
        %broadcast_in_dim3A_285 = vector.broadcast %add3A_284 : i32 to vector<16xi32>
        %add3A_286 = arith.constant 1 : i32
        %add3A_287 = arith.addi %mul3A_250, %add3A_286 : i32
        %get3A_288 = arith.index_cast %select_n3A_150 : i32 to index
        %get3A_289 = arith.index_cast %add3A_287 : i32 to index
        %get3A_290 = arith.constant 0 : index
        %get3A_291 = tpu.vector_load %arg8[%get3A_288, %get3A_289, %get3A_290] {strides = array<i32>} : memref<3x256x64xf32, #tpu.memory_space<vmem>>, vector<16xf32>,
        %add3A_292 = arith.addf %get3A_291, %get3A_213 : vector<16xf32>
        %add3A_293 = arith.constant 1 : i32
        %add3A_294 = arith.addi %mul3A_250, %add3A_293 : i32
        %get3A_295 = arith.index_cast %select_n3A_150 : i32 to index
        %get3A_296 = arith.index_cast %add3A_294 : i32 to index
        %get3A_297 = arith.constant 16 : index
        %get3A_298 = tpu.vector_load %arg8[%get3A_295, %get3A_296, %get3A_297] {strides = array<i32>} : memref<3x256x64xf32, #tpu.memory_space<vmem>>, vector<16xf32>,
        %add3A_299 = arith.addf %get3A_298, %get3A_218 : vector<16xf32>
        %add3A_300 = arith.constant 1 : i32
        %add3A_301 = arith.addi %mul3A_250, %add3A_300 : i32
        %get3A_302 = arith.index_cast %select_n3A_150 : i32 to index
        %get3A_303 = arith.index_cast %add3A_301 : i32 to index
        %get3A_304 = arith.constant 32 : index
        %get3A_305 = tpu.vector_load %arg8[%get3A_302, %get3A_303, %get3A_304] {strides = array<i32>} : memref<3x256x64xf32, #tpu.memory_space<vmem>>, vector<16xf32>,
        %add3A_306 = arith.addf %get3A_305, %get3A_223 : vector<16xf32>
        %add3A_307 = arith.constant 1 : i32
        %add3A_308 = arith.addi %mul3A_250, %add3A_307 : i32
        %get3A_309 = arith.index_cast %select_n3A_150 : i32 to index
        %get3A_310 = arith.index_cast %add3A_308 : i32 to index
        %get3A_311 = arith.constant 48 : index
        %get3A_312 = tpu.vector_load %arg8[%get3A_309, %get3A_310, %get3A_311] {strides = array<i32>} : memref<3x256x64xf32, #tpu.memory_space<vmem>>, vector<16xf32>,
        %add3A_313 = arith.addf %get3A_312, %get3A_228 : vector<16xf32>
        %add3A_314 = arith.addi %mul3A_232, %mul3A_250 : i32
        %add3A_315 = arith.constant 2 : i32
        %add3A_316 = arith.addi %add3A_314, %add3A_315 : i32
        %broadcast_in_dim3A_317 = vector.broadcast %add3A_316 : i32 to vector<16xi32>
        %add3A_318 = arith.constant 2 : i32
        %add3A_319 = arith.addi %mul3A_250, %add3A_318 : i32
        %get3A_320 = arith.index_cast %select_n3A_150 : i32 to index
        %get3A_321 = arith.index_cast %add3A_319 : i32 to index
        %get3A_322 = arith.constant 0 : index
        %get3A_323 = tpu.vector_load %arg8[%get3A_320, %get3A_321, %get3A_322] {strides = array<i32>} : memref<3x256x64xf32, #tpu.memory_space<vmem>>, vector<16xf32>,
        %add3A_324 = arith.addf %get3A_323, %get3A_213 : vector<16xf32>
        %add3A_325 = arith.constant 2 : i32
        %add3A_326 = arith.addi %mul3A_250, %add3A_325 : i32
        %get3A_327 = arith.index_cast %select_n3A_150 : i32 to index
        %get3A_328 = arith.index_cast %add3A_326 : i32 to index
        %get3A_329 = arith.constant 16 : index
        %get3A_330 = tpu.vector_load %arg8[%get3A_327, %get3A_328, %get3A_329] {strides = array<i32>} : memref<3x256x64xf32, #tpu.memory_space<vmem>>, vector<16xf32>,
        %add3A_331 = arith.addf %get3A_330, %get3A_218 : vector<16xf32>
        %add3A_332 = arith.constant 2 : i32
        %add3A_333 = arith.addi %mul3A_250, %add3A_332 : i32
        %get3A_334 = arith.index_cast %select_n3A_150 : i32 to index
        %get3A_335 = arith.index_cast %add3A_333 : i32 to index
        %get3A_336 = arith.constant 32 : index
        %get3A_337 = tpu.vector_load %arg8[%get3A_334, %get3A_335, %get3A_336] {strides = array<i32>} : memref<3x256x64xf32, #tpu.memory_space<vmem>>, vector<16xf32>,
        %add3A_338 = arith.addf %get3A_337, %get3A_223 : vector<16xf32>
        %add3A_339 = arith.constant 2 : i32
        %add3A_340 = arith.addi %mul3A_250, %add3A_339 : i32
        %get3A_341 = arith.index_cast %select_n3A_150 : i32 to index
        %get3A_342 = arith.index_cast %add3A_340 : i32 to index
        %get3A_343 = arith.constant 48 : index
        %get3A_344 = tpu.vector_load %arg8[%get3A_341, %get3A_342, %get3A_343] {strides = array<i32>} : memref<3x256x64xf32, #tpu.memory_space<vmem>>, vector<16xf32>,
        %add3A_345 = arith.addf %get3A_344, %get3A_228 : vector<16xf32>
        %add3A_346 = arith.addi %mul3A_232, %mul3A_250 : i32
        %add3A_347 = arith.constant 3 : i32
        %add3A_348 = arith.addi %add3A_346, %add3A_347 : i32
        %broadcast_in_dim3A_349 = vector.broadcast %add3A_348 : i32 to vector<16xi32>
        %add3A_350 = arith.constant 3 : i32
        %add3A_351 = arith.addi %mul3A_250, %add3A_350 : i32
        %get3A_352 = arith.index_cast %select_n3A_150 : i32 to index
        %get3A_353 = arith.index_cast %add3A_351 : i32 to index
        %get3A_354 = arith.constant 0 : index
        %get3A_355 = tpu.vector_load %arg8[%get3A_352, %get3A_353, %get3A_354] {strides = array<i32>} : memref<3x256x64xf32, #tpu.memory_space<vmem>>, vector<16xf32>,
        %add3A_356 = arith.addf %get3A_355, %get3A_213 : vector<16xf32>
        %add3A_357 = arith.constant 3 : i32
        %add3A_358 = arith.addi %mul3A_250, %add3A_357 : i32
        %get3A_359 = arith.index_cast %select_n3A_150 : i32 to index
        %get3A_360 = arith.index_cast %add3A_358 : i32 to index
        %get3A_361 = arith.constant 16 : index
        %get3A_362 = tpu.vector_load %arg8[%get3A_359, %get3A_360, %get3A_361] {strides = array<i32>} : memref<3x256x64xf32, #tpu.memory_space<vmem>>, vector<16xf32>,
        %add3A_363 = arith.addf %get3A_362, %get3A_218 : vector<16xf32>
        %add3A_364 = arith.constant 3 : i32
        %add3A_365 = arith.addi %mul3A_250, %add3A_364 : i32
        %get3A_366 = arith.index_cast %select_n3A_150 : i32 to index
        %get3A_367 = arith.index_cast %add3A_365 : i32 to index
        %get3A_368 = arith.constant 32 : index
        %get3A_369 = tpu.vector_load %arg8[%get3A_366, %get3A_367, %get3A_368] {strides = array<i32>} : memref<3x256x64xf32, #tpu.memory_space<vmem>>, vector<16xf32>,
        %add3A_370 = arith.addf %get3A_369, %get3A_223 : vector<16xf32>
        %add3A_371 = arith.constant 3 : i32
        %add3A_372 = arith.addi %mul3A_250, %add3A_371 : i32
        %get3A_373 = arith.index_cast %select_n3A_150 : i32 to index
        %get3A_374 = arith.index_cast %add3A_372 : i32 to index
        %get3A_375 = arith.constant 48 : index
        %get3A_376 = tpu.vector_load %arg8[%get3A_373, %get3A_374, %get3A_375] {strides = array<i32>} : memref<3x256x64xf32, #tpu.memory_space<vmem>>, vector<16xf32>,
        %add3A_377 = arith.addf %get3A_376, %get3A_228 : vector<16xf32>
        %scatter3A = arith.constant 0 : i32
        %scatter3A_378 = arith.constant 0 : i32
        %scatter3A_379 = tpu.memref_slice %arg9[%and3A_153, %scatter3A, %scatter3A_378] : memref<2x64x513xf32, #tpu.memory_space<vmem>> -> memref<1x64x513xf32, #tpu.memory_space<vmem>>
        %scatter3A_380 = tpu.memref_squeeze %scatter3A_379 : memref<1x64x513xf32, #tpu.memory_space<vmem>> -> memref<64x513xf32, #tpu.memory_space<vmem>>
        tpu.vector_store_idx %scatter3A_380[%add3A_26, %broadcast_in_dim3A], %add3A_260 : memref<64x513xf32, #tpu.memory_space<vmem>>[vector<16xi32>, vector<16xi32>], vector<16xf32>,
        %scatter3A_381 = arith.constant 0 : i32
        %scatter3A_382 = arith.constant 0 : i32
        %scatter3A_383 = tpu.memref_slice %arg9[%and3A_153, %scatter3A_381, %scatter3A_382] : memref<2x64x513xf32, #tpu.memory_space<vmem>> -> memref<1x64x513xf32, #tpu.memory_space<vmem>>
        %scatter3A_384 = tpu.memref_squeeze %scatter3A_383 : memref<1x64x513xf32, #tpu.memory_space<vmem>> -> memref<64x513xf32, #tpu.memory_space<vmem>>
        tpu.vector_store_idx %scatter3A_384[%add3A_29, %broadcast_in_dim3A], %add3A_267 : memref<64x513xf32, #tpu.memory_space<vmem>>[vector<16xi32>, vector<16xi32>], vector<16xf32>,
        %scatter3A_385 = arith.constant 0 : i32
        %scatter3A_386 = arith.constant 0 : i32
        %scatter3A_387 = tpu.memref_slice %arg9[%and3A_153, %scatter3A_385, %scatter3A_386] : memref<2x64x513xf32, #tpu.memory_space<vmem>> -> memref<1x64x513xf32, #tpu.memory_space<vmem>>
        %scatter3A_388 = tpu.memref_squeeze %scatter3A_387 : memref<1x64x513xf32, #tpu.memory_space<vmem>> -> memref<64x513xf32, #tpu.memory_space<vmem>>
        tpu.vector_store_idx %scatter3A_388[%add3A_32, %broadcast_in_dim3A], %add3A_274 : memref<64x513xf32, #tpu.memory_space<vmem>>[vector<16xi32>, vector<16xi32>], vector<16xf32>,
        %scatter3A_389 = arith.constant 0 : i32
        %scatter3A_390 = arith.constant 0 : i32
        %scatter3A_391 = tpu.memref_slice %arg9[%and3A_153, %scatter3A_389, %scatter3A_390] : memref<2x64x513xf32, #tpu.memory_space<vmem>> -> memref<1x64x513xf32, #tpu.memory_space<vmem>>
        %scatter3A_392 = tpu.memref_squeeze %scatter3A_391 : memref<1x64x513xf32, #tpu.memory_space<vmem>> -> memref<64x513xf32, #tpu.memory_space<vmem>>
        tpu.vector_store_idx %scatter3A_392[%add3A_35, %broadcast_in_dim3A], %add3A_281 : memref<64x513xf32, #tpu.memory_space<vmem>>[vector<16xi32>, vector<16xi32>], vector<16xf32>,
        %scatter3A_393 = arith.constant 0 : i32
        %scatter3A_394 = arith.constant 0 : i32
        %scatter3A_395 = tpu.memref_slice %arg9[%and3A_153, %scatter3A_393, %scatter3A_394] : memref<2x64x513xf32, #tpu.memory_space<vmem>> -> memref<1x64x513xf32, #tpu.memory_space<vmem>>
        %scatter3A_396 = tpu.memref_squeeze %scatter3A_395 : memref<1x64x513xf32, #tpu.memory_space<vmem>> -> memref<64x513xf32, #tpu.memory_space<vmem>>
        tpu.vector_store_idx %scatter3A_396[%add3A_26, %broadcast_in_dim3A_285], %add3A_292 : memref<64x513xf32, #tpu.memory_space<vmem>>[vector<16xi32>, vector<16xi32>], vector<16xf32>,
        %scatter3A_397 = arith.constant 0 : i32
        %scatter3A_398 = arith.constant 0 : i32
        %scatter3A_399 = tpu.memref_slice %arg9[%and3A_153, %scatter3A_397, %scatter3A_398] : memref<2x64x513xf32, #tpu.memory_space<vmem>> -> memref<1x64x513xf32, #tpu.memory_space<vmem>>
        %scatter3A_400 = tpu.memref_squeeze %scatter3A_399 : memref<1x64x513xf32, #tpu.memory_space<vmem>> -> memref<64x513xf32, #tpu.memory_space<vmem>>
        tpu.vector_store_idx %scatter3A_400[%add3A_29, %broadcast_in_dim3A_285], %add3A_299 : memref<64x513xf32, #tpu.memory_space<vmem>>[vector<16xi32>, vector<16xi32>], vector<16xf32>,
        %scatter3A_401 = arith.constant 0 : i32
        %scatter3A_402 = arith.constant 0 : i32
        %scatter3A_403 = tpu.memref_slice %arg9[%and3A_153, %scatter3A_401, %scatter3A_402] : memref<2x64x513xf32, #tpu.memory_space<vmem>> -> memref<1x64x513xf32, #tpu.memory_space<vmem>>
        %scatter3A_404 = tpu.memref_squeeze %scatter3A_403 : memref<1x64x513xf32, #tpu.memory_space<vmem>> -> memref<64x513xf32, #tpu.memory_space<vmem>>
        tpu.vector_store_idx %scatter3A_404[%add3A_32, %broadcast_in_dim3A_285], %add3A_306 : memref<64x513xf32, #tpu.memory_space<vmem>>[vector<16xi32>, vector<16xi32>], vector<16xf32>,
        %scatter3A_405 = arith.constant 0 : i32
        %scatter3A_406 = arith.constant 0 : i32
        %scatter3A_407 = tpu.memref_slice %arg9[%and3A_153, %scatter3A_405, %scatter3A_406] : memref<2x64x513xf32, #tpu.memory_space<vmem>> -> memref<1x64x513xf32, #tpu.memory_space<vmem>>
        %scatter3A_408 = tpu.memref_squeeze %scatter3A_407 : memref<1x64x513xf32, #tpu.memory_space<vmem>> -> memref<64x513xf32, #tpu.memory_space<vmem>>
        tpu.vector_store_idx %scatter3A_408[%add3A_35, %broadcast_in_dim3A_285], %add3A_313 : memref<64x513xf32, #tpu.memory_space<vmem>>[vector<16xi32>, vector<16xi32>], vector<16xf32>,
        %scatter3A_409 = arith.constant 0 : i32
        %scatter3A_410 = arith.constant 0 : i32
        %scatter3A_411 = tpu.memref_slice %arg9[%and3A_153, %scatter3A_409, %scatter3A_410] : memref<2x64x513xf32, #tpu.memory_space<vmem>> -> memref<1x64x513xf32, #tpu.memory_space<vmem>>
        %scatter3A_412 = tpu.memref_squeeze %scatter3A_411 : memref<1x64x513xf32, #tpu.memory_space<vmem>> -> memref<64x513xf32, #tpu.memory_space<vmem>>
        tpu.vector_store_idx %scatter3A_412[%add3A_26, %broadcast_in_dim3A_317], %add3A_324 : memref<64x513xf32, #tpu.memory_space<vmem>>[vector<16xi32>, vector<16xi32>], vector<16xf32>,
        %scatter3A_413 = arith.constant 0 : i32
        %scatter3A_414 = arith.constant 0 : i32
        %scatter3A_415 = tpu.memref_slice %arg9[%and3A_153, %scatter3A_413, %scatter3A_414] : memref<2x64x513xf32, #tpu.memory_space<vmem>> -> memref<1x64x513xf32, #tpu.memory_space<vmem>>
        %scatter3A_416 = tpu.memref_squeeze %scatter3A_415 : memref<1x64x513xf32, #tpu.memory_space<vmem>> -> memref<64x513xf32, #tpu.memory_space<vmem>>
        tpu.vector_store_idx %scatter3A_416[%add3A_29, %broadcast_in_dim3A_317], %add3A_331 : memref<64x513xf32, #tpu.memory_space<vmem>>[vector<16xi32>, vector<16xi32>], vector<16xf32>,
        %scatter3A_417 = arith.constant 0 : i32
        %scatter3A_418 = arith.constant 0 : i32
        %scatter3A_419 = tpu.memref_slice %arg9[%and3A_153, %scatter3A_417, %scatter3A_418] : memref<2x64x513xf32, #tpu.memory_space<vmem>> -> memref<1x64x513xf32, #tpu.memory_space<vmem>>
        %scatter3A_420 = tpu.memref_squeeze %scatter3A_419 : memref<1x64x513xf32, #tpu.memory_space<vmem>> -> memref<64x513xf32, #tpu.memory_space<vmem>>
        tpu.vector_store_idx %scatter3A_420[%add3A_32, %broadcast_in_dim3A_317], %add3A_338 : memref<64x513xf32, #tpu.memory_space<vmem>>[vector<16xi32>, vector<16xi32>], vector<16xf32>,
        %scatter3A_421 = arith.constant 0 : i32
        %scatter3A_422 = arith.constant 0 : i32
        %scatter3A_423 = tpu.memref_slice %arg9[%and3A_153, %scatter3A_421, %scatter3A_422] : memref<2x64x513xf32, #tpu.memory_space<vmem>> -> memref<1x64x513xf32, #tpu.memory_space<vmem>>
        %scatter3A_424 = tpu.memref_squeeze %scatter3A_423 : memref<1x64x513xf32, #tpu.memory_space<vmem>> -> memref<64x513xf32, #tpu.memory_space<vmem>>
        tpu.vector_store_idx %scatter3A_424[%add3A_35, %broadcast_in_dim3A_317], %add3A_345 : memref<64x513xf32, #tpu.memory_space<vmem>>[vector<16xi32>, vector<16xi32>], vector<16xf32>,
        %scatter3A_425 = arith.constant 0 : i32
        %scatter3A_426 = arith.constant 0 : i32
        %scatter3A_427 = tpu.memref_slice %arg9[%and3A_153, %scatter3A_425, %scatter3A_426] : memref<2x64x513xf32, #tpu.memory_space<vmem>> -> memref<1x64x513xf32, #tpu.memory_space<vmem>>
        %scatter3A_428 = tpu.memref_squeeze %scatter3A_427 : memref<1x64x513xf32, #tpu.memory_space<vmem>> -> memref<64x513xf32, #tpu.memory_space<vmem>>
        tpu.vector_store_idx %scatter3A_428[%add3A_26, %broadcast_in_dim3A_349], %add3A_356 : memref<64x513xf32, #tpu.memory_space<vmem>>[vector<16xi32>, vector<16xi32>], vector<16xf32>,
        %scatter3A_429 = arith.constant 0 : i32
        %scatter3A_430 = arith.constant 0 : i32
        %scatter3A_431 = tpu.memref_slice %arg9[%and3A_153, %scatter3A_429, %scatter3A_430] : memref<2x64x513xf32, #tpu.memory_space<vmem>> -> memref<1x64x513xf32, #tpu.memory_space<vmem>>
        %scatter3A_432 = tpu.memref_squeeze %scatter3A_431 : memref<1x64x513xf32, #tpu.memory_space<vmem>> -> memref<64x513xf32, #tpu.memory_space<vmem>>
        tpu.vector_store_idx %scatter3A_432[%add3A_29, %broadcast_in_dim3A_349], %add3A_363 : memref<64x513xf32, #tpu.memory_space<vmem>>[vector<16xi32>, vector<16xi32>], vector<16xf32>,
        %scatter3A_433 = arith.constant 0 : i32
        %scatter3A_434 = arith.constant 0 : i32
        %scatter3A_435 = tpu.memref_slice %arg9[%and3A_153, %scatter3A_433, %scatter3A_434] : memref<2x64x513xf32, #tpu.memory_space<vmem>> -> memref<1x64x513xf32, #tpu.memory_space<vmem>>
        %scatter3A_436 = tpu.memref_squeeze %scatter3A_435 : memref<1x64x513xf32, #tpu.memory_space<vmem>> -> memref<64x513xf32, #tpu.memory_space<vmem>>
        tpu.vector_store_idx %scatter3A_436[%add3A_32, %broadcast_in_dim3A_349], %add3A_370 : memref<64x513xf32, #tpu.memory_space<vmem>>[vector<16xi32>, vector<16xi32>], vector<16xf32>,
        %scatter3A_437 = arith.constant 0 : i32
        %scatter3A_438 = arith.constant 0 : i32
        %scatter3A_439 = tpu.memref_slice %arg9[%and3A_153, %scatter3A_437, %scatter3A_438] : memref<2x64x513xf32, #tpu.memory_space<vmem>> -> memref<1x64x513xf32, #tpu.memory_space<vmem>>
        %scatter3A_440 = tpu.memref_squeeze %scatter3A_439 : memref<1x64x513xf32, #tpu.memory_space<vmem>> -> memref<64x513xf32, #tpu.memory_space<vmem>>
        tpu.vector_store_idx %scatter3A_440[%add3A_35, %broadcast_in_dim3A_349], %add3A_377 : memref<64x513xf32, #tpu.memory_space<vmem>>[vector<16xi32>, vector<16xi32>], vector<16xf32>,
        %scan3A_441 = arith.constant 0 : i32
        scf.yield %scan3A_441 : i32
      }
      %scan3A_238 = arith.constant 64 : i32
      %and3A_239 = arith.constant 1 : i32
      %and3A_240 = arith.andi %while3A_95, %and3A_239 : i32
      %eq3A_241 = arith.constant 1 : i32
      %eq3A_242 = arith.cmpi eq, %and3A_240, %eq3A_241 : i32
      %convert_element_type3A_243 = arith.extui %eq3A_242 : i1 to i32
      %cond3A_244 = arith.constant 0 : i32
      %cond3A_245 = arith.cmpi ne, %convert_element_type3A_243, %cond3A_244 : i32
      scf.if %cond3A_245 {
        %sub3A_247 = arith.constant 1 : i32
        %sub3A_248 = arith.subi %select_n3A_134, %sub3A_247 : i32
        %mul3A_249 = arith.constant 256 : i32
        %mul3A_250 = arith.muli %sub3A_248, %mul3A_249 : i32
        %dma_start3A = arith.constant 0 : i32
        %dma_start3A_251 = arith.constant 0 : i32
        %dma_start3A_252 = tpu.memref_slice %arg9[%and3A_153, %dma_start3A, %dma_start3A_251] : memref<2x64x513xf32, #tpu.memory_space<vmem>> -> memref<1x64x512xf32, #tpu.memory_space<vmem>>
        %dma_start3A_253 = tpu.memref_squeeze %dma_start3A_252 : memref<1x64x512xf32, #tpu.memory_space<vmem>> -> memref<64x512xf32, #tpu.memory_space<vmem>>
        %dma_start3A_254 = arith.constant 0 : i32
        %dma_start3A_255 = tpu.memref_slice %arg5[%add3A_156, %dma_start3A_254, %mul3A_250] : memref<200x64x4096xf32, #tpu.memory_space<hbm>> -> memref<1x64x512xf32, #tpu.memory_space<hbm>>
        %dma_start3A_256 = tpu.memref_squeeze %dma_start3A_255 : memref<1x64x512xf32, #tpu.memory_space<hbm>> -> memref<64x512xf32, #tpu.memory_space<hbm>>
        %dma_start3A_257 = tpu.memref_slice %arg11[%and3A_153] : memref<2x!tpu.dma_semaphore, #tpu.memory_space<semaphore_mem>> -> memref<1x!tpu.dma_semaphore, #tpu.memory_space<semaphore_mem>>
        %dma_start3A_258 = tpu.memref_squeeze %dma_start3A_257 : memref<1x!tpu.dma_semaphore, #tpu.memory_space<semaphore_mem>> -> memref<!tpu.dma_semaphore, #tpu.memory_space<semaphore_mem>>
        %dma_start3A_259 = arith.constant 0 : i32
        %dma_start3A_260 = tpu.memref_slice %arg5[%add3A_156, %dma_start3A_259, %mul3A_250] : memref<200x64x4096xf32, #tpu.memory_space<hbm>> -> memref<1x64x512xf32, #tpu.memory_space<hbm>>
        %dma_start3A_261 = tpu.memref_squeeze %dma_start3A_260 : memref<1x64x512xf32, #tpu.memory_space<hbm>> -> memref<64x512xf32, #tpu.memory_space<hbm>>
        %dma_start3A_262 = arith.constant 0 : i32
        %dma_start3A_263 = arith.constant 0 : i32
        %dma_start3A_264 = tpu.memref_slice %arg9[%and3A_153, %dma_start3A_262, %dma_start3A_263] : memref<2x64x513xf32, #tpu.memory_space<vmem>> -> memref<1x64x512xf32, #tpu.memory_space<vmem>>
        %dma_start3A_265 = tpu.memref_squeeze %dma_start3A_264 : memref<1x64x512xf32, #tpu.memory_space<vmem>> -> memref<64x512xf32, #tpu.memory_space<vmem>>
        tpu.enqueue_dma source(%dma_start3A_265 : memref<64x512xf32, #tpu.memory_space<vmem>>) target(%dma_start3A_261 : memref<64x512xf32, #tpu.memory_space<hbm>>) target_semaphore(%dma_start3A_258 : memref<!tpu.dma_semaphore, #tpu.memory_space<semaphore_mem>>)
      } else {
      }
      %while3A_246 = arith.constant 0 : i32
      scf.yield %while3A_246 : i32
    }
    %dma_wait3A = arith.constant 0 : i32
    %dma_wait3A_54 = arith.constant 0 : i32
    %dma_wait3A_55 = arith.constant 0 : i32
    %dma_wait3A_56 = arith.constant 0 : i32
    %dma_wait3A_57 = arith.constant 0 : i32
    %dma_wait3A_58 = tpu.memref_slice %arg9[%dma_wait3A_54, %dma_wait3A_56, %dma_wait3A_57] : memref<2x64x513xf32, #tpu.memory_space<vmem>> -> memref<1x64x512xf32, #tpu.memory_space<vmem>>
    %dma_wait3A_59 = tpu.memref_squeeze %dma_wait3A_58 : memref<1x64x512xf32, #tpu.memory_space<vmem>> -> memref<64x512xf32, #tpu.memory_space<vmem>>
    %dma_wait3A_60 = arith.constant 0 : i32
    %dma_wait3A_61 = arith.constant 0 : i32
    %dma_wait3A_62 = tpu.memref_slice %arg5[%dma_wait3A, %dma_wait3A_60, %dma_wait3A_61] : memref<200x64x4096xf32, #tpu.memory_space<hbm>> -> memref<1x64x512xf32, #tpu.memory_space<hbm>>
    %dma_wait3A_63 = tpu.memref_squeeze %dma_wait3A_62 : memref<1x64x512xf32, #tpu.memory_space<hbm>> -> memref<64x512xf32, #tpu.memory_space<hbm>>
    %dma_wait3A_64 = tpu.memref_slice %arg11[%dma_wait3A_55] : memref<2x!tpu.dma_semaphore, #tpu.memory_space<semaphore_mem>> -> memref<1x!tpu.dma_semaphore, #tpu.memory_space<semaphore_mem>>
    %dma_wait3A_65 = tpu.memref_squeeze %dma_wait3A_64 : memref<1x!tpu.dma_semaphore, #tpu.memory_space<semaphore_mem>> -> memref<!tpu.dma_semaphore, #tpu.memory_space<semaphore_mem>>
    %dma_wait3A_66 = arith.constant 0 : i32
    %dma_wait3A_67 = arith.constant 0 : i32
    %dma_wait3A_68 = tpu.memref_slice %arg9[%dma_wait3A_54, %dma_wait3A_66, %dma_wait3A_67] : memref<2x64x513xf32, #tpu.memory_space<vmem>> -> memref<1x64x512xf32, #tpu.memory_space<vmem>>
    %dma_wait3A_69 = tpu.memref_squeeze %dma_wait3A_68 : memref<1x64x512xf32, #tpu.memory_space<vmem>> -> memref<64x512xf32, #tpu.memory_space<vmem>>
    %dma_wait3A_70 = arith.constant 0 : i32
    %dma_wait3A_71 = arith.constant 0 : i32
    %dma_wait3A_72 = tpu.memref_slice %arg5[%dma_wait3A, %dma_wait3A_70, %dma_wait3A_71] : memref<200x64x4096xf32, #tpu.memory_space<hbm>> -> memref<1x64x512xf32, #tpu.memory_space<hbm>>
    %dma_wait3A_73 = tpu.memref_squeeze %dma_wait3A_72 : memref<1x64x512xf32, #tpu.memory_space<hbm>> -> memref<64x512xf32, #tpu.memory_space<hbm>>
    tpu.wait_dma2 semaphore(%dma_wait3A_65 : memref<!tpu.dma_semaphore, #tpu.memory_space<semaphore_mem>>) src(%dma_wait3A_73 : memref<64x512xf32, #tpu.memory_space<hbm>>) dst(%dma_wait3A_69 : memref<64x512xf32, #tpu.memory_space<vmem>>)
    %dma_wait3A_74 = arith.constant 0 : i32
    %dma_wait3A_75 = arith.constant 1 : i32
    %dma_wait3A_76 = arith.constant 1 : i32
    %dma_wait3A_77 = arith.constant 0 : i32
    %dma_wait3A_78 = arith.constant 0 : i32
    %dma_wait3A_79 = tpu.memref_slice %arg9[%dma_wait3A_75, %dma_wait3A_77, %dma_wait3A_78] : memref<2x64x513xf32, #tpu.memory_space<vmem>> -> memref<1x64x512xf32, #tpu.memory_space<vmem>>
    %dma_wait3A_80 = tpu.memref_squeeze %dma_wait3A_79 : memref<1x64x512xf32, #tpu.memory_space<vmem>> -> memref<64x512xf32, #tpu.memory_space<vmem>>
    %dma_wait3A_81 = arith.constant 0 : i32
    %dma_wait3A_82 = arith.constant 0 : i32
    %dma_wait3A_83 = tpu.memref_slice %arg5[%dma_wait3A_74, %dma_wait3A_81, %dma_wait3A_82] : memref<200x64x4096xf32, #tpu.memory_space<hbm>> -> memref<1x64x512xf32, #tpu.memory_space<hbm>>
    %dma_wait3A_84 = tpu.memref_squeeze %dma_wait3A_83 : memref<1x64x512xf32, #tpu.memory_space<hbm>> -> memref<64x512xf32, #tpu.memory_space<hbm>>
    %dma_wait3A_85 = tpu.memref_slice %arg11[%dma_wait3A_76] : memref<2x!tpu.dma_semaphore, #tpu.memory_space<semaphore_mem>> -> memref<1x!tpu.dma_semaphore, #tpu.memory_space<semaphore_mem>>
    %dma_wait3A_86 = tpu.memref_squeeze %dma_wait3A_85 : memref<1x!tpu.dma_semaphore, #tpu.memory_space<semaphore_mem>> -> memref<!tpu.dma_semaphore, #tpu.memory_space<semaphore_mem>>
    %dma_wait3A_87 = arith.constant 0 : i32
    %dma_wait3A_88 = arith.constant 0 : i32
    %dma_wait3A_89 = tpu.memref_slice %arg9[%dma_wait3A_75, %dma_wait3A_87, %dma_wait3A_88] : memref<2x64x513xf32, #tpu.memory_space<vmem>> -> memref<1x64x512xf32, #tpu.memory_space<vmem>>
    %dma_wait3A_90 = tpu.memref_squeeze %dma_wait3A_89 : memref<1x64x512xf32, #tpu.memory_space<vmem>> -> memref<64x512xf32, #tpu.memory_space<vmem>>
    %dma_wait3A_91 = arith.constant 0 : i32
    %dma_wait3A_92 = arith.constant 0 : i32
    %dma_wait3A_93 = tpu.memref_slice %arg5[%dma_wait3A_74, %dma_wait3A_91, %dma_wait3A_92] : memref<200x64x4096xf32, #tpu.memory_space<hbm>> -> memref<1x64x512xf32, #tpu.memory_space<hbm>>
    %dma_wait3A_94 = tpu.memref_squeeze %dma_wait3A_93 : memref<1x64x512xf32, #tpu.memory_space<hbm>> -> memref<64x512xf32, #tpu.memory_space<hbm>>
    tpu.wait_dma2 semaphore(%dma_wait3A_86 : memref<!tpu.dma_semaphore, #tpu.memory_space<semaphore_mem>>) src(%dma_wait3A_94 : memref<64x512xf32, #tpu.memory_space<hbm>>) dst(%dma_wait3A_90 : memref<64x512xf32, #tpu.memory_space<vmem>>)
    return
  }
}

</mosaic_0001>

<sc_bundles>
// kernel: kernel.3.cloned.1.call-start
scs
__scs_entry_jumppad:
0x0: {  	(pc) =	sbr.rel $0x88, $3  }
0x1: {  	(tag) =	ssettag $0x0;
	lr =	simm.s32 $0x1  }
0x2: {  	[smem:$0x3F9E] =	sst lr;
	_ =	strace $0xD0000000  }
0x3: {  	_ = 	snop  }
0x4: {  	_ = 	snop  }
0x5: {  	_ = 	snop  }
0x6: {  	_ = 	snop  }
0x7: {  	_ = 	snop  }
__scs_overlays_trampoline_lowered:
0x8: {  	[smem:$0x3FAD] =	sst s0  }
0x9: {  	[smem:$0x3FAE] =	sst s1  }
0xa: {  	[smem:$0x3FAF] =	sst s2  }
0xb: {  	[smem:$0x3FB0] =	sst s3  }
0xc: {  	[smem:$0x3FB1] =	sst s4  }
0xd: {  	[smem:$0x3FB2] =	sst s5  }
0xe: {  	[smem:$0x3FB3] =	sst s6  }
0xf: {  	[smem:$0x3FB4] =	sst s7  }
0x10: {  	[smem:$0x3FB5] =	sst s8  }
0x11: {  	[smem:$0x3FB6] =	sst s9;
	s0 =	simm.s32 @!p0 $0x0  }
0x12: {  	s1 =	sld [smem:$0x3F9C];
	s0 =	simm.s32 @p0 $0x1  }
0x13: {  	[smem:$0x3FB7] =	sst s0;
	s0 =	simm.s32 @!p1 $0x0  }
0x14: {  	s2 =	sld [smem:$0x3F9B];
	s0 =	simm.s32 @p1 $0x1  }
0x15: {  	[smem:$0x3FB8] =	sst s0;
	s0 =	simm.s32 @!p2 $0x0  }
0x16: {  	s3 =	sld [smem:$0x3FDB];
	s0 =	simm.s32 @p2 $0x1  }
0x17: {  	s4 =	simm.s32 $0x1BF5;
	[smem:$0x3FBA] =	sst s0  }
0x18: {  	s0 =	sld [smem:$0x3F9D];
	_ =	swait.ge [sflag:s4], $0x0  }
0x19: {  	s7 =	sld [smem:$0x3F9E]  }
0x1a: {  	s8 =	sadd.s32 $0xFFFFE003, lr  }
0x1b: {  	s9 =	sadd.s32 $0xFFFFFEF7, lr;
	s5 =	simm.s32 $0xFFFFFFFF;
	p2 =	slt.u32 s8, $0xFFFFF086  }
0x1c: {  	p1 =	slt.u32 s9, $0xF7A;
	s5 =	simm.s32 @!p2 $0x0  }
0x1d: {  	s5 =	simm.s32 @p1 $0x1;
	p0 =	seq.s32 s7, s2  }
0x1e: {  	s7 =	smul.u32 @!p0 $0xF7A, s2;
	p2 =	seq.s32 @!p0 s5, $0x0  }
0x1f: {  	s9 =	smul.u32 $0xF7A, s1;
	s8 =	simm.s32 @!p0 $0x1BF5;
	p2 =	por !p2, p0  }
0x20: {  	[sflag:s8] =	ssyncset.s32 @!p0 $0xFFFFF086;
	s6 =	sadd.s32 @!p0 s3, s7;
	s7 =	simm.s32 @!p0 $0x108  }
0x21: {  	s3 =	sadd.s32 s3, s9;
	s6 =	sadd.s32 @!p0 $0x88, s6;
	s7 =	simm.s32 @p2 $0x1082  }
0x22: {  	[simem:s7], [sflag:s8] =	dma.local @!p0 [hbm:s6], $0xF7A  }
0x23: {  	s9 =	sor.u32 $0xD0000000, s2;
	s6 =	simm.s32 $0x108;
	_ =	swait.ge @!p0 [sflag:s8], $0x0  }
0x24: {  	s3 =	sadd.s32 $0x88, s3;
	s6 =	simm.s32 @!p1 $0x1082;
	[sflag:s4] =	ssyncset.s32 $0xFFFFF086  }
0x25: {  	[simem:s6], [sflag:s4] =	dma.local [hbm:s3], $0xF7A  }
0x26: {  	[smem:$0x3F9E] =	sst s1;
	(tag) =	ssettag s2;
	_ =	strace s9  }
0x27: {  	s1 =	sld [smem:$0x3FAE]  }
0x28: {  	s2 =	sld [smem:$0x3FAF]  }
0x29: {  	s4 =	sld [smem:$0x3FB1]  }
0x2a: {  	p0 =	seq.s32 s5, $0x0;
	s5 =	sld [smem:$0x3FB2]  }
0x2b: {  	s6 =	sld [smem:$0x3FB3]  }
0x2c: {  	s7 =	sld [smem:$0x3FB4]  }
0x2d: {  	s3 =	simm.s32 $0x108;
	s8 =	sld [smem:$0x3FB5]  }
0x2e: {  	s3 =	simm.s32 @!p0 $0x1082;
	s9 =	sld [smem:$0x3FB6]  }
0x2f: {  	lr =	sadd.s32 s0, s3;
	s0 =	sld [smem:$0x3FAD]  }
0x30: {  	s3 =	sld [smem:$0x3FB0]  }
0x31: {  	[smem:$0x3FB9] =	sst s10  }
0x32: {  	s10 =	sld [smem:$0x3FB7];
	_ =	sdelay $0x3  }
0x33: {  	p0 =	seq.s32 s10, $0x1;
	s10 =	sld [smem:$0x3FB9];
	_ =	sdelay $0x3  }
0x34: {  	[smem:$0x3FB9] =	sst s10  }
0x35: {  	s10 =	sld [smem:$0x3FB8];
	_ =	sdelay $0x3  }
0x36: {  	p1 =	seq.s32 s10, $0x1;
	s10 =	sld [smem:$0x3FB9];
	_ =	sdelay $0x3  }
0x37: {  	[smem:$0x3FB9] =	sst s10  }
0x38: {  	s10 =	sld [smem:$0x3FBA]  }
0x39: {  	_ = 	snop;
	(pc) =	sbr.ind lr, $3  }
0x3a: {  	_ = 	snop  }
0x3b: {  	_ = 	snop  }
0x3c: {  	p2 =	seq.s32 s10, $0x1;
	s10 =	sld [smem:$0x3FB9]  }
0x3d: {  	_ =	shalt  }
0x3e: {  	_ =	shalt  }
0x3f: {  	_ =	shalt  }
0x40: {  	_ =	shalt  }
0x41: {  	_ =	shalt  }
0x42: {  	_ =	shalt  }
0x43: {  	_ =	shalt  }
0x44: {  	_ =	shalt  }
0x45: {  	_ =	shalt  }
0x46: {  	_ =	shalt  }
0x47: {  	_ =	shalt  }
0x48: {  	_ =	shalt  }
0x49: {  	_ =	shalt  }
0x4a: {  	_ =	shalt  }
0x4b: {  	_ =	shalt  }
0x4c: {  	_ =	shalt  }
0x4d: {  	_ =	shalt  }
0x4e: {  	_ =	shalt  }
0x4f: {  	_ =	shalt  }
0x50: {  	_ =	shalt  }
0x51: {  	_ =	shalt  }
0x52: {  	_ =	shalt  }
0x53: {  	_ =	shalt  }
0x54: {  	_ =	shalt  }
0x55: {  	_ =	shalt  }
0x56: {  	_ =	shalt  }
0x57: {  	_ =	shalt  }
0x58: {  	_ =	shalt  }
0x59: {  	_ =	shalt  }
0x5a: {  	_ =	shalt  }
0x5b: {  	_ =	shalt  }
0x5c: {  	_ =	shalt  }
0x5d: {  	_ =	shalt  }
0x5e: {  	_ =	shalt  }
0x5f: {  	_ =	shalt  }
0x60: {  	_ =	shalt  }
0x61: {  	_ =	shalt  }
0x62: {  	_ =	shalt  }
0x63: {  	_ =	shalt  }
0x64: {  	_ =	shalt  }
0x65: {  	_ =	shalt  }
0x66: {  	_ =	shalt  }
0x67: {  	_ =	shalt  }
0x68: {  	_ =	shalt  }
0x69: {  	_ =	shalt  }
0x6a: {  	_ =	shalt  }
0x6b: {  	_ =	shalt  }
0x6c: {  	_ =	shalt  }
0x6d: {  	_ =	shalt  }
0x6e: {  	_ =	shalt  }
0x6f: {  	_ =	shalt  }
0x70: {  	_ =	shalt  }
0x71: {  	_ =	shalt  }
0x72: {  	_ =	shalt  }
0x73: {  	_ =	shalt  }
0x74: {  	_ =	shalt  }
0x75: {  	_ =	shalt  }
0x76: {  	_ =	shalt  }
0x77: {  	_ =	shalt  }
0x78: {  	_ =	shalt  }
0x79: {  	_ =	shalt  }
0x7a: {  	_ =	shalt  }
0x7b: {  	_ =	shalt  }
0x7c: {  	_ =	shalt  }
0x7d: {  	_ =	shalt  }
0x7e: {  	_ =	shalt  }
0x7f: {  	_ =	shalt  }
0x80: {  	_ =	shalt  }
0x81: {  	_ =	shalt  }
0x82: {  	_ =	shalt  }
0x83: {  	_ =	shalt  }
0x84: {  	_ =	shalt  }
0x85: {  	_ =	shalt  }
0x86: {  	_ =	shalt  }
0x87: {  	_ =	shalt  }
.Lfunc_end0:
.L_simem_size_0:
called_computation_lowered:
.L_overlay_start_0:
0x88: {  	s2 =	sld [smem:$0x3FD9]  }
0x89: {  	s3 =	sld [smem:$0x3FFE];
	_ =	sdelay $0x1  }
0x8a: {  	s1 =	srdreg.scid  }
0x8b: {  	s0 =	sand.u32 $0x1, s1  }
0x8c: {  	s17 =	sshll.u32 s0, $0xA;
	s2 =	sadd.s32 s3, s2  }
0x8d: {  	s2 =	sadd.s32 s2, s17  }
0x8e: {  	[smem:$0x3FC5] =	sst s2  }
0x8f: {  	_ = 	snop  }
0x90: {  	s2 =	sld [smem:$0x3FD0];
	(tm) =	ssettm $0x1  }
0x91: {  	s18 =	sld [smem:$0x3FFB];
	_ =	sdelay $0x3  }
0x92: {  	_ =	strace s18  }
0x93: {  	s3 =	sld [smem:$0x3FFC];
	_ =	sdelay $0x3  }
0x94: {  	_ =	strace s3  }
0x95: {  	s3 =	sld [smem:$0x3FFD];
	_ =	sdelay $0x3  }
0x96: {  	_ =	strace s3  }
0x97: {  	_ =	strace $0x8FFFFFFF  }
0x98: {  	s19 =	sld [smem:$0x3FDB];
	_ =	sdelay $0x1  }
0x99: {  	s4 =	simm.s32 $_scs_section_size  }
0x9a: {  	s5 =	simm.s32 $_size__tile_overlayer_lowered;
	s6 =	simm.s32 $_tile_overlayer_lowered  }
0x9b: {  	s22 =	simm.s32 $0x1BFF;
	s21 =	sshll.u32 s6, $0x1;
	s3 =	sadd.s32 s4, s19  }
0x9c: {  	s7 =	simm.s32 $0x0;
	s20 =	sshll.u32 s5, $0x1;
	s5 =	sadd.s32 s21, s3  }
0x9d: {  	[timem:s7], [sflag:s22] =	dma.local [hbm:s5], s20  }
0x9e: {  	_ =	swait.ge [sflag:s22], s20  }
0x9f: {  	s4 =	ssub.s32 $0x0, s20;
	[sflag:s22] =	ssyncset.done $0x0  }
0xa0: {  	[sflag:s22] =	ssyncadd.s32 s4;
	_ =	sdelay $0x1  }
0xa1: {  	s23 =	simm.s32 $0x1B8B  }
0xa2: {  	_ =	swait.ge [sflag:s23], $0x1  }
0xa3: {  	[sflag:s23] =	ssyncset.done $0x0  }
0xa4: {  	s25 =	simm.s32 $0x1B8E;
	s24 =	sld [smem:$0x3FFE];
	[sflag:s23] =	ssyncadd.s32 $0xFFFFFFFF  }
0xa5: {  	s26 =	simm.s32 $execute0_lowered;
	[smem:$0x3FD2] =	sst s25  }
0xa6: {  	s5 =	sshll.u32 s26, $0x1;
	_ =	strace $0x80000046;
	[dreg:$0x1] =	wrdreg $0xFFFFFFFF  }
0xa7: {  	s28 =	simm.s32 $_size_execute0_lowered;
	s3 =	sadd.s32 s3, s5;
	[dreg:$0x0] =	wrdreg $0x0  }
0xa8: {  	s5 =	sshll.u32 s28, $0x1;
	[dreg:$0x2] =	wrdreg s3  }
0xa9: {  	[dreg:$0x3] =	wrdreg s5  }
0xaa: {  	[dreg:$0x4] =	wrdreg $0xC0  }
0xab: {  	_ =	task [dreg:s7], $0x5FFFF  }
0xac: {  	[dreg:$0x1] =	wrdreg $0xFFFFFFFF  }
0xad: {  	[dreg:$0x0] =	wrdreg $0x60  }
0xae: {  	[dreg:$0x2] =	wrdreg s2  }
0xaf: {  	[dreg:$0x3] =	wrdreg s24  }
0xb0: {  	[dreg:$0x4] =	wrdreg $0x9  }
0xb1: {  	_ =	task.clear_ibuf [dreg:s7], $0x5FFFF;
	_ =	strace $0x90000046  }
0xb2: {  	s29 =	simm.s32 $0x9;
	_ =	strace $0x80000048  }
0xb3: {  	_ =	swait.ge [sflag:s29], $0x1  }
0xb4: {  	[sflag:s29] =	ssyncadd.s32 $0xFFFFFFFF  }
0xb5: {  	_ =	strace $0x90000048  }
0xb6: {  	_ =	sfence  }
0xb7: {  	s30 =	sld [smem:$0x0];
	_ =	sdelay $0x2  }
0xb8: {  	s31 =	sshll.u32 s1, $0xD;
	s1 =	sshrl.u32 s1, $0x2  }
0xb9: {  	s3 =	sand.u32 $0x4000, s31;
	s1 =	sadd.s32 s1, s30  }
0xba: {  	s0 =	sor.u32 s3, s0;
	s1 =	sshll.u32 s1, $0x11  }
0xbb: {  	s0 =	sor.u32 s1, s0  }
0xbc: {  	s0 =	sadd.s32 $0x8F2B, s0  }
0xbd: {  	[sflag:s0] =	ssyncadd.remote.s32 $0x1  }
0xbe: {  	_ =	sfence.sel $0xFFFF  }
0xbf: {  	[dreg:$0x0] =	wrdreg $0xFFFFFFFF;
	(pc) =	sbr.abs _section_cstart, $3  }
0xc0: {  	[dreg:$0x1] =	wrdreg $0xFFFFFFFF  }
0xc1: {  	_ =	task.clear_ibuf [dreg:s7], $0x2FFFF;
	_ =	strace $0x9FFFFFFF  }
0xc2: {  	(tm) =	ssettm $0x7FFFFFFF  }
0xc3: {  	_ =	shalt  }
tec
execute0_lowered:
.L_overlay_start_1:
0x0: {  	(tag) =	ssettag $0x1  }
0x1: {  	s1 =	rddreg [dreg:$0x0]  }
0x2: {  	s7 =	rddreg [dreg:$0x1];
	s3 =	simm.s32 $0x0;
	s4 =	srdreg.scid  }
0x3: {  	s2 =	stileid.u32;
	s14 =	simm.s32 $0x7;
	s15 =	simm.s32 $0x2000  }
0x4: {  	s16 =	simm.s32 $0x100;
	s17 =	simm.s32 $0x6080;
	s18 =	simm.s32 $0x4  }
0x5: {  	s19 =	simm.s32 $0x5;
	s20 =	simm.s32 $0x0;
	[smem:$0x7FF] =	sst s3  }
0x6: {  	s5 =	sand.u32 $0x1, s4;
	s6 =	sshll.u32 s2, $0x1;
	s4 =	sadd.s32 $0xF42C00, s7  }
0x7: {  	_ =	strace $0x80000047;
	s8 =	ssub.s32 $0x2, s5;
	s5 =	sor.u32 s5, s6  }
.Ltmp0:
0x8: {  	s6 =	sadd.s32 $0x800, s7;
	s7 =	sadd.s32 $0x1000, s7;
	(pc) =	sbr.rel .LBB2_1-.Ltmp0, $4  }
0x9: {  	v0 =	vlaneseq.u32;
	s9 =	sshrl.u32 s8, $0x1;
	s10 =	ssub.s32 $0xC7, s5;
	s31 =	sshll.u32 s5, $0x9  }
0xa: {  	v0 =	vmul.u32 $0x208, v0;
	s11 =	sshll.u32 s5, $0x3;
	s13 =	ssub.s32 s8, s9;
	s8 =	sshrl.u32 s10, $0x5  }
0xb: {  	s12 =	sshll.u32 s5, $0x12;
	s10 =	sadd.s32 s1, s31;
	s30 =	sshll.u32 s8, $0x4  }
0xc: {  	v1 =	vadd.s32 $0x2080, v0;
	v2 =	vadd.s32 $0x4100, v0;
	v3 =	vadd.s32 $0x6180, v0;
	s11 =	sadd.s32 s6, s11;
	s13 =	smax.u32 s13, $0x1;
	s9 =	sadd.s32 $0x10, s30  }
.LBB2_12:
0xd: {  	s20 =	sadd.s32 $0x1, s20  }
0xe: {  	_ =	swait.ge [sflag:s18], $0x8000;
	p0 =	sne.s32 s20, s13  }
.Ltmp1:
0xf: {  	[sflag:s18] =	ssyncset.done $0x0;
	(pc) =	sbr.rel @!p0 .LBB2_13-.Ltmp1, $4  }
0x10: {  	[sflag:s18] =	ssyncadd.s32 $0xFFFF8000  }
0x11: {  	_ =	swait.ge [sflag:s19], $0x8000  }
0x12: {  	[sflag:s19] =	ssyncset.done $0x0  }
0x13: {  	[sflag:s19] =	ssyncadd.s32 $0xFFFF8000  }
.LBB2_1:
0x14: {  	[tilespmem:s3], [sflag:$0x7] =	stream.linear.gather [hbm4b:s10+s3], $0x1000, $0x38;
	[tilespmem:$0x1E480] =	vst v63  }
0x15: {  	_ =	swait.ge [sflag:s14], $0x1000  }
0x16: {  	[sflag:s14] =	ssyncset.done $0x0  }
0x17: {  	[sflag:s14] =	ssyncadd.s32 $0xFFFFF000  }
0x18: {  	[tilespmem:s15], [sflag:$0x7] =	stream.linear.gather [hbm4b:s11+s3], $0x40, $0x38;
	[tilespmem:$0x1E480] =	vst v63  }
0x19: {  	_ =	swait.ge [sflag:s14], $0x40  }
.Ltmp2:
0x1a: {  	[sflag:s14] =	ssyncset.done $0x0;
	(pc) =	sbr.rel .LBB2_2-.Ltmp2, $4  }
0x1b: {  	s21 =	simm.s32 $0x2080;
	[sflag:s14] =	ssyncadd.s32 $0xFFFFFFC0  }
0x1c: {  	[tilespmem:s21], [sflag:$0x1] =	stream.indirect.gather [hbm4b:s4+s16], $0x40, s3, s16, $0xb8;
	[tilespmem:$0x1E480] =	vst v63  }
0x1d: {  	p0 =	por $0x0, $0x0;
	s22 =	simm.s32 $0x0  }
0x1e: {  	[tilespmem:s17], [sflag:$0x2] =	stream.indirect.gather [hbm4b:s4+s16], $0x40, s16, s16, $0xb8;
	[tilespmem:$0x1E480] =	vst v63  }
.LBB2_11:
0x1f: {  	s22 =	sadd.s32 $0x1, s22  }
0x20: {  	p1 =	slt.u32 s22, s9  }
.Ltmp3:
0x21: {  	_ = 	snop;
	(pc) =	sbr.rel @!p1 .LBB2_12-.Ltmp3, $2  }
0x22: {  	_ =	sdelay $0x2  }
0x23: {  	p0 =	por !p0, !p0;
	s21 =	sadd.s32 $0x4000, s21  }
.LBB2_2:
0x24: {  	s28 =	sand.u32 $0xF, s22  }
0x25: {  	s23 =	sshrl.u32 s22, $0x4;
	p1 =	sne.s32 s28, $0x8  }
0x26: {  	p2 =	sge.u32 @!p1 s23, s8  }
0x27: {  	p1 =	por p1, p2  }
.Ltmp4:
0x28: {  	_ = 	snop;
	(pc) =	sbr.rel @p1 .LBB2_4-.Ltmp4, $1  }
0x29: {  	_ =	sdelay $0x3  }
0x2a: {  	s24 =	sadd.s32 $0x1, s23  }
0x2b: {  	s25 =	sshll.u32 s24, $0x5  }
0x2c: {  	s24 =	sand.u32 $0x1, s24;
	s25 =	sor.u32 s5, s25  }
0x2d: {  	s29 =	sshll.u32 s24, $0xC;
	s26 =	sshll.u32 s25, $0x9  }
.Ltmp5:
0x2e: {  	s25 =	sshll.u32 s25, $0x3;
	s26 =	sand.u32 $0x1FFFFE00, s26;
	(pc) =	sbr.rel .LBB2_5-.Ltmp5, $4  }
0x2f: {  	s24 =	sshll.u32 s24, $0x6;
	s25 =	sand.u32 $0x1FFFFFF8, s25;
	s26 =	sadd.s32 s1, s26  }
0x30: {  	[tilespmem:s29], [sflag:$0x6] =	stream.linear.gather [hbm4b:s26+s3], $0x1000, $0x38;
	[tilespmem:$0x1E480] =	vst v63  }
0x31: {  	s24 =	sor.u32 $0x2000, s24;
	s25 =	sadd.s32 s6, s25  }
0x32: {  	[tilespmem:s24], [sflag:$0x6] =	stream.linear.gather [hbm4b:s25+s3], $0x40, $0x38;
	[tilespmem:$0x1E480] =	vst v63  }
.LBB2_4:
0x33: {  	p1 =	sne.s32 s28, $0xE  }
0x34: {  	p2 =	sge.u32 @!p1 s23, s8  }
0x35: {  	p1 =	por p2, p1  }
0x36: {  	s24 =	simm.s32 @!p1 $0x6  }
0x37: {  	_ =	swait.ge @!p1 [sflag:s24], $0x1000  }
0x38: {  	[sflag:s24] =	ssyncset.done @!p1 $0x0  }
0x39: {  	[sflag:s24] =	ssyncadd.s32 @!p1 $0xFFFFF000  }
0x3a: {  	_ =	swait.ge @!p1 [sflag:s24], $0x40  }
0x3b: {  	[sflag:s24] =	ssyncset.done @!p1 $0x0  }
0x3c: {  	[sflag:s24] =	ssyncadd.s32 @!p1 $0xFFFFFFC0  }
.LBB2_5:
0x3d: {  	s24 =	sadd.s32 $0x2, s22  }
0x3e: {  	p1 =	sge.u32 s24, s9  }
0x3f: {  	s25 =	smulhi.u32 @!p1 $0xAAAAAAAB, s24  }
0x40: {  	s26 =	smulhi.u32 $0xAAAAAAAB, s22  }
0x41: {  	s25 =	sshrl.u32 @!p1 s25, $0x1  }
0x42: {  	s26 =	sshrl.u32 s26, $0x1;
	s25 =	smul.u32 @!p1 $0x3, s25  }
0x43: {  	s29 =	smul.u32 $0x3, s26  }
0x44: {  	s30 =	sshrl.u32 s22, $0x1;
	s0 =	simm.s32 @!p1 $0x100;
	s25 =	ssub.s32 @!p1 s24, s25  }
0x45: {  	s29 =	ssub.s32 s22, s29;
	s24 =	sshll.u32 @!p1 s24, $0x8;
	s31 =	sshll.u32 @!p1 s25, $0xE  }
0x46: {  	s24 =	sand.u32 @!p1 $0x1F00, s24;
	s25 =	sadd.s32 @!p1 $0x1, s25;
	s31 =	sor.u32 @!p1 $0x2080, s31  }
0x47: {  	[tilespmem:s31], [sflag:s25] =	stream.indirect.gather @!p1 [hbm4b:s4+s0], $0x40, s24, s0, $0xb8;
	[tilespmem:$0x1E480] =	vst v63  }
0x48: {  	s31 =	sadd.s32 $0x1, s29;
	s25 =	sand.u32 $0x1, s22;
	p1 =	slt.u32 s22, $0x4  }
0x49: {  	s26 =	smul.u32 $0xFFFD0000, s26;
	_ =	swait.ge [sflag:s31], $0x4000;
	p2 =	sne.s32 @!p1 s25, $0x0  }
0x4a: {  	s24 =	sand.u32 $0x1, s30;
	[sflag:s31] =	ssyncset.done $0x0;
	p1 =	por p2, p1  }
0x4b: {  	[sflag:s31] =	ssyncadd.s32 $0xFFFFC000;
	s0 =	sor.u32 @!p1 $0x4, s24  }
0x4c: {  	s26 =	sshra.s32 s26, $0x2;
	_ =	swait.ge @!p1 [sflag:s0], $0x8000  }
0x4d: {  	s26 =	sadd.s32 s26, s21;
	s29 =	sshll.u32 s23, $0x6;
	[sflag:s0] =	ssyncset.done @!p1 $0x0  }
0x4e: {  	v8 =	vmov s26;
	s31 =	sand.u32 $0x40, s29;
	[sflag:s0] =	ssyncadd.s32 @!p1 $0xFFFF8000  }
0x4f: {  	v7 =	vld [tilespmem:s31+$0x2000]  }
0x50: {  	v6 =	vld [tilespmem:s31+$0x2010]  }
0x51: {  	v5 =	vld [tilespmem:s31+$0x2020]  }
0x52: {  	s0 =	simm.s32 $0x0;
	v4 =	vld [tilespmem:s31+$0x2030]  }
0x53: {  	v12 =	vld.idx.msk [tilespmem:v8+s0+$0xC0 ss:$0x1], $0xffff  }
0x54: {  	v13 =	vld.idx.msk [tilespmem:v8+s0+$0xA0 ss:$0x1], $0xffff  }
0x55: {  	v11 =	vld.idx.msk [tilespmem:v8+s0+$0x70 ss:$0x1], $0xffff  }
0x56: {  	v14 =	vld.idx.msk [tilespmem:v8+s0+$0x30 ss:$0x1], $0xffff  }
0x57: {  	s26 =	simm.s32 $0x1;
	v17 =	vld.idx.msk [tilespmem:v8+s0+$0x50 ss:$0x1], $0xffff  }
0x58: {  	s26 =	simm.s32 @!p0 $0x0;
	v15 =	vld.idx.msk [tilespmem:v8+s0+$0x40 ss:$0x1], $0xffff  }
0x59: {  	s29 =	sshll.u32 s26, $0x8;
	v29 =	vld.idx.msk [tilespmem:v8+s0+$0x20 ss:$0x1], $0xffff  }
0x5a: {  	s26 =	sadd.s32 $0x3, s29;
	v9 =	vmov s29;
	v18 =	vld.idx.msk [tilespmem:v8+s0+$0x10 ss:$0x1], $0xffff  }
0x5b: {  	v10 =	vmov s26;
	v22 =	vand.u32 $0x1FC, v9;
	v23 =	vld.idx.msk [tilespmem:v8+s0+$0x0 ss:$0x1], $0xffff  }
0x5c: {  	v9 =	vand.u32 $0x1FF, v10;
	v33 =	vadd.s32 v0, v22;
	v27 =	vld.idx.msk [tilespmem:v8+s0+$0xB0 ss:$0x1], $0xffff  }
0x5d: {  	v21 =	vadd.s32 v1, v22;
	v19 =	vadd.s32 v3, v22;
	v22 =	vadd.s32 v2, v22;
	v10 =	vld.idx.msk [tilespmem:v8+s0+$0xE0 ss:$0x1], $0xffff;
	s31 =	sadd.s32 $0x1, s29  }
0x5e: {  	s30 =	smul.u32 $0x20800, s24;
	v20 =	vld.idx.msk [tilespmem:v8+s0+$0x60 ss:$0x1], $0xffff;
	v24 =	vmov s31;
	v16 =	vadd.f32 v15, v7;
	v13 =	vadd.f32 v13, v5  }
0x5f: {  	v25 =	vld.idx.msk [tilespmem:v8+s0+$0x80 ss:$0x1], $0xffff;
	v30 =	vand.u32 $0x1FD, v24;
	v28 =	vadd.f32 v18, v6;
	v12 =	vadd.f32 v12, v7  }
0x60: {  	s31 =	sshrl.u32 s30, $0x2;
	v24 =	vadd.s32 v0, v30;
	v15 =	vld.idx.msk [tilespmem:v8+s0+$0xD0 ss:$0x1], $0xffff;
	v34 =	vadd.f32 v23, v7;
	v26 =	vadd.f32 v14, v4  }
0x61: {  	s26 =	sadd.s32 $0xE080, s31;
	s31 =	sadd.s32 $0x2, s29;
	v18 =	vld.idx.msk [tilespmem:v8+s0+$0x90 ss:$0x1], $0xffff;
	v23 =	vadd.f32 v17, v6;
	v17 =	vadd.f32 v27, v4;
	v27 =	vadd.s32 v1, v30  }
0x62: {  	s28 =	sshll.u32 s28, $0x8;
	s30 =	simm.s32 $0x400;
	v32 =	vmov s31;
	v14 =	vld.idx.msk [tilespmem:v8+s0+$0xF0 ss:$0x1], $0xffff;
	v31 =	vadd.f32 v29, v5;
	v29 =	vadd.s32 v2, v30;
	[tilespmem:v33+s26+$0x0] =	vst.idx.msk $0xffff, v34  }
.LBB2_6:
0x63: {  	p1 =	sne.s32 s30, $0xFC00  }
0x64: {  	[tilespmem:v21+s26+$0x0] =	vst.idx.msk $0xffff, v28;
	v21 =	vadd.s32 v3, v30;
	v28 =	vand.u32 $0x1FE, v32;
	s29 =	sadd.s32 $0x4, s29;
	s0 =	smov.u32 s30;
	s30 =	sadd.s32 $0x400, s30  }
0x65: {  	v20 =	vadd.f32 v20, v5;
	s31 =	sadd.s32 $0x3, s29;
	[tilespmem:v22+s26+$0x0] =	vst.idx.msk $0xffff, v31;
	v22 =	vadd.s32 v0, v28  }
0x66: {  	v15 =	vadd.f32 v15, v6;
	v30 =	vmov s31;
	[tilespmem:v19+s26+$0x0] =	vst.idx.msk $0xffff, v26;
	v19 =	vadd.s32 v1, v28  }
0x67: {  	v11 =	vadd.f32 v11, v4;
	v26 =	vand.u32 $0x1FF, v30;
	[tilespmem:v24+s26+$0x0] =	vst.idx.msk $0xffff, v16;
	v16 =	vadd.s32 v2, v28  }
0x68: {  	v18 =	vadd.f32 v18, v6;
	v24 =	vadd.f32 v25, v7;
	[tilespmem:v27+s26+$0x0] =	vst.idx.msk $0xffff, v23  }
0x69: {  	v23 =	vadd.s32 v0, v9;
	[tilespmem:v29+s26+$0x0] =	vst.idx.msk $0xffff, v20;
	v20 =	vadd.s32 v3, v28  }
0x6a: {  	[tilespmem:v21+s26+$0x0] =	vst.idx.msk $0xffff, v11;
	v11 =	vadd.s32 v1, v9  }
0x6b: {  	v21 =	vadd.s32 v2, v9;
	[tilespmem:v22+s26+$0x0] =	vst.idx.msk $0xffff, v24  }
0x6c: {  	s31 =	sshra.s32 s0, $0x2;
	[tilespmem:v19+s26+$0x0] =	vst.idx.msk $0xffff, v18;
	v18 =	vadd.s32 v3, v9;
	v9 =	vmov v26  }
0x6d: {  	[tilespmem:v16+s26+$0x0] =	vst.idx.msk $0xffff, v13  }
0x6e: {  	v10 =	vadd.f32 v10, v5;
	[tilespmem:v20+s26+$0x0] =	vst.idx.msk $0xffff, v17  }
0x6f: {  	v13 =	vadd.f32 v14, v4;
	[tilespmem:v23+s26+$0x0] =	vst.idx.msk $0xffff, v12  }
0x70: {  	[tilespmem:v11+s26+$0x0] =	vst.idx.msk $0xffff, v15  }
0x71: {  	[tilespmem:v21+s26+$0x0] =	vst.idx.msk $0xffff, v10  }
0x72: {  	[tilespmem:v18+s26+$0x0] =	vst.idx.msk $0xffff, v13  }
0x73: {  	v12 =	vld.idx.msk [tilespmem:v8+s31+$0xC0 ss:$0x1], $0xffff  }
0x74: {  	v13 =	vld.idx.msk [tilespmem:v8+s31+$0xA0 ss:$0x1], $0xffff  }
0x75: {  	v11 =	vld.idx.msk [tilespmem:v8+s31+$0x70 ss:$0x1], $0xffff  }
0x76: {  	v14 =	vld.idx.msk [tilespmem:v8+s31+$0x30 ss:$0x1], $0xffff  }
0x77: {  	v17 =	vld.idx.msk [tilespmem:v8+s31+$0x50 ss:$0x1], $0xffff  }
0x78: {  	v15 =	vld.idx.msk [tilespmem:v8+s31+$0x40 ss:$0x1], $0xffff  }
0x79: {  	v29 =	vld.idx.msk [tilespmem:v8+s31+$0x20 ss:$0x1], $0xffff  }
0x7a: {  	v18 =	vld.idx.msk [tilespmem:v8+s31+$0x10 ss:$0x1], $0xffff  }
0x7b: {  	v10 =	vmov s29;
	v23 =	vld.idx.msk [tilespmem:v8+s31+$0x0 ss:$0x1], $0xffff  }
0x7c: {  	v22 =	vand.u32 $0x1FC, v10;
	v27 =	vld.idx.msk [tilespmem:v8+s31+$0xB0 ss:$0x1], $0xffff  }
0x7d: {  	v33 =	vadd.s32 v0, v22;
	v10 =	vld.idx.msk [tilespmem:v8+s31+$0xE0 ss:$0x1], $0xffff  }
0x7e: {  	s0 =	sadd.s32 $0x1, s29;
	v21 =	vadd.s32 v1, v22;
	v19 =	vadd.s32 v3, v22;
	v16 =	vadd.f32 v15, v7;
	v15 =	vld.idx.msk [tilespmem:v8+s31+$0xD0 ss:$0x1], $0xffff  }
.Ltmp6:
0x7f: {  	v24 =	vmov s0;
	v22 =	vadd.s32 v2, v22;
	v13 =	vadd.f32 v13, v5;
	v20 =	vld.idx.msk [tilespmem:v8+s31+$0x60 ss:$0x1], $0xffff;
	(pc) =	sbr.rel @p1 .LBB2_6-.Ltmp6, $4  }
0x80: {  	v30 =	vand.u32 $0x1FD, v24;
	v12 =	vadd.f32 v12, v7;
	v28 =	vadd.f32 v18, v6;
	v18 =	vld.idx.msk [tilespmem:v8+s31+$0x90 ss:$0x1], $0xffff  }
0x81: {  	v24 =	vadd.s32 v0, v30;
	v26 =	vadd.f32 v14, v4;
	v34 =	vadd.f32 v23, v7;
	v14 =	vld.idx.msk [tilespmem:v8+s31+$0xF0 ss:$0x1], $0xffff  }
0x82: {  	s0 =	sadd.s32 $0x2, s29;
	v23 =	vadd.f32 v17, v6;
	v17 =	vadd.f32 v27, v4;
	v27 =	vadd.s32 v1, v30;
	v25 =	vld.idx.msk [tilespmem:v8+s31+$0x80 ss:$0x1], $0xffff  }
0x83: {  	v32 =	vmov s0;
	v31 =	vadd.f32 v29, v5;
	v29 =	vadd.s32 v2, v30;
	[tilespmem:v33+s26+$0x0] =	vst.idx.msk $0xffff, v34  }
0x84: {  	_ =	sdelay $0x3  }
0x85: {  	[tilespmem:v21+s26+$0x0] =	vst.idx.msk $0xffff, v28  }
0x86: {  	v8 =	vadd.s32 v3, v30;
	v53 =	vand.u32 $0x1FE, v32;
	[tilespmem:v22+s26+$0x0] =	vst.idx.msk $0xffff, v31  }
0x87: {  	v54 =	vadd.s32 v0, v53;
	[tilespmem:v19+s26+$0x0] =	vst.idx.msk $0xffff, v26  }
0x88: {  	v55 =	vadd.f32 v20, v5;
	v56 =	vadd.s32 v1, v53;
	[tilespmem:v24+s26+$0x0] =	vst.idx.msk $0xffff, v16  }
0x89: {  	v11 =	vadd.f32 v11, v4;
	v57 =	vadd.s32 v2, v53;
	[tilespmem:v27+s26+$0x0] =	vst.idx.msk $0xffff, v23  }
0x8a: {  	v58 =	vadd.s32 v3, v53;
	v7 =	vadd.f32 v25, v7;
	[tilespmem:v29+s26+$0x0] =	vst.idx.msk $0xffff, v55  }
0x8b: {  	v59 =	vadd.s32 v0, v9;
	v18 =	vadd.f32 v18, v6;
	[tilespmem:v8+s26+$0x0] =	vst.idx.msk $0xffff, v11  }
0x8c: {  	v60 =	vadd.s32 v1, v9;
	[tilespmem:v54+s26+$0x0] =	vst.idx.msk $0xffff, v7  }
0x8d: {  	v61 =	vadd.s32 v2, v9;
	[tilespmem:v56+s26+$0x0] =	vst.idx.msk $0xffff, v18  }
0x8e: {  	v62 =	vadd.s32 v3, v9;
	p1 =	seq.s32 s25, $0x0;
	[tilespmem:v57+s26+$0x0] =	vst.idx.msk $0xffff, v13  }
.Ltmp7:
0x8f: {  	v63 =	vadd.f32 v15, v6;
	[tilespmem:v58+s26+$0x0] =	vst.idx.msk $0xffff, v17;
	(pc) =	sbr.rel @p1 .LBB2_11-.Ltmp7, $4  }
0x90: {  	v5 =	vadd.f32 v10, v5;
	[tilespmem:v59+s26+$0x0] =	vst.idx.msk $0xffff, v12  }
0x91: {  	v4 =	vadd.f32 v14, v4;
	[tilespmem:v60+s26+$0x0] =	vst.idx.msk $0xffff, v63  }
0x92: {  	[tilespmem:v61+s26+$0x0] =	vst.idx.msk $0xffff, v5  }
0x93: {  	[tilespmem:v62+s26+$0x0] =	vst.idx.msk $0xffff, v4  }
0x94: {  	s0 =	sshll.u32 s23, $0x17  }
0x95: {  	s0 =	sor.u32 s12, s0  }
0x96: {  	s0 =	sadd.s32 s0, s28  }
0x97: {  	s0 =	sadd.s32 $0xFFFFFF00, s0  }
0x98: {  	s0 =	sshrl.u32 s0, $0x3  }
0x99: {  	s23 =	sor.u32 $0x4, s24;
	s24 =	sadd.s32 s7, s0  }
0x9a: {  	s25 =	simm.s32 $0x200;
	s28 =	sadd.s32 $0x208, s26;
	s29 =	sadd.s32 $0x0, s24  }
.LBB2_9:
0x9b: {  	[hbm4b:s29+s3] =	stream.linear.scatter [tilespmem:s26], [sflag:s23], $0x200, $0x38;
	[tilespmem:$0x1E480] =	vst v63  }
0x9c: {  	s0 =	smov.u32 s25;
	s26 =	smov.u32 s28;
	p1 =	sne.s32 s25, $0x7E00  }
.Ltmp8:
0x9d: {  	s25 =	sadd.s32 $0x200, s25;
	(pc) =	sbr.rel @p1 .LBB2_9-.Ltmp8, $2  }
0x9e: {  	_ =	sdelay $0x2  }
0x9f: {  	s28 =	sadd.s32 $0x208, s28;
	s29 =	sadd.s32 s0, s24  }
.Ltmp9:
0xa0: {  	(pc) =	sbr.rel .LBB2_11-.Ltmp9, $2  }
0xa1: {  	_ =	sdelay $0x2  }
0xa2: {  	[hbm4b:s29+s3] =	stream.linear.scatter [tilespmem:s26], [sflag:s23], $0x200, $0x38;
	[tilespmem:$0x1E480] =	vst v63  }
.LBB2_13:
0xa3: {  	_ =	sfence.sel $0x180000  }
0xa4: {  	[bflag:$0x0] =	sbarrier.arrive $0xFFFF  }
0xa5: {  	_ =	strace $0x90000047  }
0xa6: {  	[bflag:$0x2] =	sbarrier.arrive $0xFFFF  }
0xa7: {  	p0 =	sne.s32 s2, $0x0;
	s0 =	rddreg [dreg:$0x2]  }
0xa8: {  	s0 =	sadd.s32 @!p0 $0x100000, s0  }
0xa9: {  	[sflag:s0] =	ssyncadd.tile.s32 @!p0 $0x1;
	_ =	shalt  }
.Lfunc_end2:
_tile_overlayer_lowered:
.L_overlay_start_2:
0xaa: {  	(tag) =	ssettag $0x2  }
0xab: {  	s0 =	rddreg [dreg:$0x0];
	s2 =	stileid.u32  }
0xac: {  	s1 =	rddreg [dreg:$0x1];
	p0 =	sne.s32 s2, $0x0  }
0xad: {  	s3 =	rddreg [dreg:$0x2];
	[bflag:$0x3] =	sbarrier.arrive $0xFFFF;
	s2 =	simm.s32 @!p0 $0x1C07  }
0xae: {  	[timem:s3], [sflag:s2] =	dma.local @!p0 [hbm:s0], s1  }
0xaf: {  	s0 =	simm.s32 @!p0 $0x7  }
0xb0: {  	_ =	swait.ge @!p0 [sflag:s0], s1  }
0xb1: {  	s1 =	ssub.s32 @!p0 $0x0, s1;
	[sflag:s0] =	ssyncset.done @!p0 $0x0  }
0xb2: {  	[sflag:s0] =	ssyncadd.s32 @!p0 s1  }
0xb3: {  	[bflag:$0x3] =	sbarrier.arrive $0xFFFF  }
0xb4: {  	_ =	shalt  }

</sc_bundles>
